<compile_context>
chip_gen: v7x
topology: tpu7x:2x2x1
jax: 0.10.2.dev20260603
libtpu: 0.0.44.dev20260713+nightly
codegen_flags: <defaults>
</compile_context>

<pallas_src>
import functools

import jax
import jax.numpy as jnp
from jax import lax
from jax.experimental import pallas as pl
from jax.experimental.pallas import tpu as pltpu
from jax.experimental.pallas import tpu_sc as plsc

N_NODES = 10000
N_EDGES = 320000
IN_DIM = 128
HID_DIM = 32

NC = 2
NS = 16
NW = NC * NS
N_PAD = 10240
STRIPE = N_PAD // NS
E_PER_W = N_EDGES // NW

CHUNK = 80
NCH = E_PER_W // CHUNK
WAVE = 5
NWAVES = NCH // WAVE
NGRP = 3
NBUF = NGRP * WAVE



def _sc_mesh():
    return plsc.VectorSubcoreMesh(core_axis_name="c", subcore_axis_name="s")


_SC_PARAMS = pltpu.CompilerParams(use_tc_tiling_on_sc=False,
                                  needs_layout_passes=False)


@functools.partial(
    pl.kernel,
    mesh=_sc_mesh(),
    out_type=jax.ShapeDtypeStruct((NC, N_PAD), jnp.float32),
    scratch_types=[
        pltpu.VMEM((NCH, CHUNK), jnp.int32),
        pltpu.VMEM((CHUNK,), jnp.float32),
        pltpu.VMEM_SHARED((N_PAD,), jnp.float32),
        pltpu.SemaphoreType.DMA,
    ],
    compiler_params=_SC_PARAMS,
)
def _deg_kernel(ei_hbm, ones_hbm, zeros_hbm, out_hbm, idx_d, ones_v, acc, sem):
    c = lax.axis_index("c")
    s = lax.axis_index("s")
    wid = c * NS + s
    row0 = pl.multiple_of(s * STRIPE, 8)
    pltpu.sync_copy(zeros_hbm, acc.at[pl.ds(row0, STRIPE)])
    pltpu.sync_copy(ones_hbm, ones_v)
    pltpu.sync_copy(ei_hbm.at[1, wid], idx_d)
    plsc.subcore_barrier()

    def fire(i, carry):
        pltpu.async_copy(ones_v, acc.at[idx_d.at[i]], sem, add=True)
        return carry

    def drain(i, carry):
        pltpu.make_async_copy(ones_v, acc.at[idx_d.at[i]], sem).wait()
        return carry

    lax.fori_loop(0, NCH, fire, 0)
    lax.fori_loop(0, NCH, drain, 0)
    plsc.subcore_barrier()
    pltpu.sync_copy(acc.at[pl.ds(row0, STRIPE)],
                    out_hbm.at[c, pl.ds(row0, STRIPE)])


@functools.partial(
    pl.kernel,
    mesh=_sc_mesh(),
    out_type=jax.ShapeDtypeStruct((NC, N_PAD, HID_DIM), jnp.float32),
    scratch_types=[
        pltpu.VMEM((NCH, CHUNK), jnp.int32),
        pltpu.VMEM((NCH, CHUNK), jnp.int32),
        pltpu.VMEM((NBUF, CHUNK, HID_DIM), jnp.float32),
        pltpu.VMEM_SHARED((N_PAD, HID_DIM), jnp.float32),
        pltpu.SemaphoreType.DMA,
        pltpu.SemaphoreType.DMA,
    ],
    compiler_params=_SC_PARAMS,
)
def _agg32_kernel(tab_hbm, ei_hbm, zeros_hbm, out_hbm,
                  idx_s, idx_d, rows, acc, sem_g, sem_s):
    c = lax.axis_index("c")
    s = lax.axis_index("s")
    wid = c * NS + s
    row0 = pl.multiple_of(s * STRIPE, 8)
    last_full = (N_NODES - 15 * STRIPE)

    @pl.when((c == 0) & (s < NS - 1))
    def _():
        pltpu.sync_copy(tab_hbm.at[pl.ds(row0, STRIPE)],
                        acc.at[pl.ds(row0, STRIPE)])

    @pl.when((c == 0) & (s == NS - 1))
    def _():
        pltpu.sync_copy(tab_hbm.at[pl.ds(15 * STRIPE, last_full)],
                        acc.at[pl.ds(15 * STRIPE, last_full)])
        pltpu.sync_copy(zeros_hbm.at[pl.ds(0, STRIPE - last_full)],
                        acc.at[pl.ds(15 * STRIPE + last_full,
                                     STRIPE - last_full)])

    @pl.when(c == 1)
    def _():
        pltpu.sync_copy(zeros_hbm, acc.at[pl.ds(row0, STRIPE)])

    pltpu.sync_copy(ei_hbm.at[0, wid], idx_s)
    pltpu.sync_copy(ei_hbm.at[1, wid], idx_d)
    plsc.subcore_barrier()

    def fire_gather(chunk, slot):
        pltpu.async_copy(tab_hbm.at[idx_s.at[chunk]], rows.at[slot], sem_g)

    def drain_gather(chunk, slot):
        pltpu.make_async_copy(tab_hbm.at[idx_s.at[chunk]], rows.at[slot],
                              sem_g).wait()

    def fire_scatter(chunk, slot):
        pltpu.async_copy(rows.at[slot], acc.at[idx_d.at[chunk]], sem_s,
                         add=True)

    def drain_scatter(chunk, slot):
        pltpu.make_async_copy(rows.at[slot], acc.at[idx_d.at[chunk]],
                              sem_s).wait()

    for k in range(WAVE):
        fire_gather(k, k)

    def wave(w, carry):
        g = lax.rem(w, NGRP)
        ng = lax.rem(w + 1, NGRP)
        slot0 = g * WAVE
        nslot0 = ng * WAVE
        base = w * WAVE

        @pl.when(w > 1)
        def _():
            for k in range(WAVE):
                drain_scatter(base - 2 * WAVE + k, nslot0 + k)

        @pl.when(w < NWAVES - 1)
        def _():
            for k in range(WAVE):
                fire_gather(base + WAVE + k, nslot0 + k)

        for k in range(WAVE):
            drain_gather(base + k, slot0 + k)
        for k in range(WAVE):
            fire_scatter(base + k, slot0 + k)
        return carry

    lax.fori_loop(0, NWAVES, wave, 0)
    for w in (NWAVES - 2, NWAVES - 1):
        for k in range(WAVE):
            drain_scatter(w * WAVE + k, (w % NGRP) * WAVE + k)
    plsc.subcore_barrier()
    pltpu.sync_copy(acc.at[pl.ds(row0, STRIPE)],
                    out_hbm.at[c, pl.ds(row0, STRIPE)])


@functools.partial(
    pl.kernel,
    mesh=_sc_mesh(),
    out_type=jax.ShapeDtypeStruct((NC, N_PAD), jnp.float32),
    scratch_types=[
        pltpu.VMEM((NCH, CHUNK), jnp.int32),
        pltpu.VMEM((NCH, CHUNK), jnp.int32),
        pltpu.VMEM((N_PAD,), jnp.float32),
        pltpu.VMEM((E_PER_W,), jnp.float32),
        pltpu.VMEM_SHARED((N_PAD,), jnp.float32),
        pltpu.SemaphoreType.DMA,
    ],
    compiler_params=_SC_PARAMS,
)
def _agg1_kernel(tab_hbm, ei_hbm, zeros_hbm, out_hbm,
                 idx_s, idx_d, tab_v, vals, acc, sem):
    c = lax.axis_index("c")
    s = lax.axis_index("s")
    wid = c * NS + s
    row0 = pl.multiple_of(s * STRIPE, 8)
    pltpu.sync_copy(zeros_hbm, acc.at[pl.ds(row0, STRIPE)])
    pltpu.sync_copy(tab_hbm, tab_v)
    pltpu.sync_copy(ei_hbm.at[0, wid], idx_s)
    pltpu.sync_copy(ei_hbm.at[1, wid], idx_d)
    plsc.subcore_barrier()

    def step(i, carry):
        for j in range(CHUNK // 16):
            iv = idx_s[i, pl.ds(j * 16, 16)]
            vals[pl.ds(i * CHUNK + j * 16, 16)] = plsc.load_gather(
                tab_v, [iv])
        pltpu.async_copy(vals.at[pl.ds(i * CHUNK, CHUNK)],
                         acc.at[idx_d.at[i]], sem, add=True)
        return carry

    def drain(i, carry):
        pltpu.make_async_copy(vals.at[pl.ds(i * CHUNK, CHUNK)],
                              acc.at[idx_d.at[i]], sem).wait()
        return carry

    lax.fori_loop(0, NCH, step, 0)
    lax.fori_loop(0, NCH, drain, 0)
    plsc.subcore_barrier()
    pltpu.sync_copy(acc.at[pl.ds(row0, STRIPE)],
                    out_hbm.at[c, pl.ds(row0, STRIPE)])



def _t1_body(x_ref, w1_ref, degp_ref, y1_ref):
    deg = degp_ref[0, :N_NODES] + degp_ref[1, :N_NODES] + 1.0
    dinv = lax.rsqrt(deg)
    h = jnp.dot(x_ref[...], w1_ref[...], preferred_element_type=jnp.float32)
    y1_ref[...] = h * dinv[:, None]


_t1 = pl.pallas_call(
    _t1_body,
    out_shape=jax.ShapeDtypeStruct((N_NODES, HID_DIM), jnp.float32),
)


_PROW = N_PAD // 4


def _t2_body(aggp_ref, degp_ref, b1p_ref, w2b_ref, y2_ref):
    tot = aggp_ref[:_PROW, :] + aggp_ref[_PROW:, :]
    deg4 = degp_ref[0] + degp_ref[1] + 1.0
    dinv4 = lax.rsqrt(deg4)
    scale = jnp.concatenate(
        [jnp.broadcast_to(dinv4[:, k:k + 1], (_PROW, HID_DIM))
         for k in range(4)], axis=1)
    x2 = jnp.maximum(scale * tot + b1p_ref[...], 0.0)
    g4 = jnp.dot(x2, w2b_ref[...], preferred_element_type=jnp.float32)
    y2_ref[...] = dinv4 * g4


_t2 = pl.pallas_call(
    _t2_body,
    out_shape=jax.ShapeDtypeStruct((_PROW, 4), jnp.float32),
)


_PR128 = N_PAD // 128


def _t3_body(agg2p_ref, y2p_ref, degp_ref, b2_ref, out_ref):
    deg = degp_ref[:_PR128, :] + degp_ref[_PR128:, :] + 1.0
    dinv = lax.rsqrt(deg)
    a = agg2p_ref[:_PR128, :] + agg2p_ref[_PR128:, :] + y2p_ref[...]
    out_ref[...] = dinv * a + b2_ref[0, 0]


_t3 = pl.pallas_call(
    _t3_body,
    out_shape=jax.ShapeDtypeStruct((_PR128, 128), jnp.float32),
)


def kernel(x, edge_index, W1, b1, W2, b2):
    ei4 = edge_index.reshape(2, NW, NCH, CHUNK)

    zeros32 = jnp.zeros((STRIPE, HID_DIM), jnp.float32)
    zeros1 = jnp.zeros((STRIPE,), jnp.float32)
    ones_c = jnp.ones((CHUNK,), jnp.float32)

    b1p = jnp.tile(b1, 4).reshape(1, 4 * HID_DIM)
    w2b = jnp.zeros((4 * HID_DIM, 4), jnp.float32)
    for k in range(4):
        w2b = w2b.at[k * HID_DIM:(k + 1) * HID_DIM, k].set(W2[:, 0])

    degp = _deg_kernel(ei4, ones_c, zeros1)
    y1 = _t1(x, W1, degp)
    aggp = _agg32_kernel(y1, ei4, zeros32)
    y2_4 = _t2(aggp.reshape(2 * _PROW, 4 * HID_DIM),
               degp.reshape(2, _PROW, 4), b1p, w2b)
    y2 = y2_4.reshape(-1)
    agg2p = _agg1_kernel(y2, ei4, zeros1)
    outp = _t3(agg2p.reshape(2 * _PR128, 128), y2.reshape(_PR128, 128),
               degp.reshape(2 * _PR128, 128), b2.reshape(1, 1))
    return outp.reshape(-1)[:N_NODES]

# --- scband reference (transcript-rebuilt; emitter-appended) ---
"""Pipeline reference for scband-flow-gcn-44143673868909 (READ-ONLY COPY).

The authoritative reference and input builder live on the scoring server;
editing this copy changes nothing except your own understanding.
"""

import jax, jax.numpy as jnp
import numpy as np

N_NODES = 10000
N_EDGES = 320000
IN_DIM = 128
HID_DIM = 32


def gcn_conv(x, edge_index, W, b):
    # Faithful PyG GCNConv: add self-loops, symmetric deg^-1/2 normalization,
    # linear transform, scatter-add aggregation, bias.
    n = x.shape[0]
    loops = jnp.arange(n, dtype=edge_index.dtype)
    src = jnp.concatenate([edge_index[0], loops])
    dst = jnp.concatenate([edge_index[1], loops])
    deg = jnp.zeros((n,), x.dtype).at[dst].add(1.0)
    dinv = jnp.where(deg > 0, deg ** -0.5, 0.0)
    norm = dinv[src] * dinv[dst]
    h = x @ W
    msg = h[src] * norm[:, None]
    out = jnp.zeros((n, W.shape[1]), x.dtype).at[dst].add(msg)
    return out + b


def setup_inputs(seed: int = 0) -> dict:
    key = jax.random.key(seed)
    k1, k2, k3, k4 = jax.random.split(key, 4)
    x = jax.random.normal(k1, (N_NODES, IN_DIM), dtype=jnp.float32)
    edge_index = jax.random.randint(k2, (2, N_EDGES), 0, N_NODES, dtype=jnp.int32)
    W1 = jax.random.normal(k3, (IN_DIM, HID_DIM), dtype=jnp.float32) * (1.0 / np.sqrt(IN_DIM))
    b1 = jnp.zeros((HID_DIM,), dtype=jnp.float32)
    W2 = jax.random.normal(k4, (HID_DIM, 1), dtype=jnp.float32) * (1.0 / np.sqrt(HID_DIM))
    b2 = jnp.zeros((1,), dtype=jnp.float32)
    return {"x": x, "edge_index": edge_index, "W1": W1, "b1": b1, "W2": W2, "b2": b2}


def reference(x, edge_index, W1, b1, W2, b2):
    # FlowGCN forward (eval mode: dropout is identity)
    h = gcn_conv(x, edge_index, W1, b1)
    h = jax.nn.relu(h)
    out = gcn_conv(h, edge_index, W2, b2)
    return out.reshape(-1)

if __name__ == "__main__":
    import jax
    _d = setup_inputs()
    print(jax.jit(kernel)(*tuple(_d.values())))

</pallas_src>

<mosaic_0001>
#map = affine_map<(d0, d1) -> (0, 0, 0, 0)>
#map1 = affine_map<(d0, d1) -> (0)>
#map2 = affine_map<(d0, d1) -> (0, 0)>
module attributes {stable_mosaic.version = 14 : i64} {
  func.func @_deg_kernel(%arg0: i32, %arg1: i32, %arg2: memref<2x32x125x80xi32, #tpu.memory_space<hbm>>, %arg3: memref<80xf32, #tpu.memory_space<hbm>>, %arg4: memref<640xf32, #tpu.memory_space<hbm>>, %arg5: memref<2x10240xf32, #tpu.memory_space<hbm>>, %arg6: memref<125x80xi32, #tpu.memory_space<vmem>>, %arg7: memref<80xf32, #tpu.memory_space<vmem>>, %arg8: memref<10240xf32, #tpu.memory_space<vmem_shared>>, %arg9: memref<!tpu.dma_semaphore, #tpu.memory_space<semaphore_mem>>) attributes {dimension_semantics = [#tpu.dimension_semantics<core_parallel>, #tpu.dimension_semantics<subcore_parallel>], iteration_bounds = array<i64: 2, 16>, scalar_prefetch = 0 : i64, scratch_operands = 4 : i64, tpu.core_type = #tpu.core_type<sc_vector_subcore>, window_params = [{transform_indices = #map}, {transform_indices = #map1}, {transform_indices = #map1}, {transform_indices = #map2}]} {
    %mul3A = arith.constant 16 : i32
    %mul3A_0 = arith.muli %arg0, %mul3A : i32
    %add3A = arith.addi %mul3A_0, %arg1 : i32
    %mul3A_1 = arith.constant 640 : i32
    %mul3A_2 = arith.muli %arg1, %mul3A_1 : i32
    %multiple_of3A = tpu.assume_multiple %mul3A_2, 8 : i32
    "tpu.region"() ({
      %run_scoped3A_15 = tpu.sem_alloc : memref<!tpu.dma_semaphore, #tpu.memory_space<semaphore_mem>>
      %dma_start3A = tpu.memref_slice %arg8[%multiple_of3A] : memref<10240xf32, #tpu.memory_space<vmem_shared>> -> memref<640xf32, #tpu.memory_space<vmem_shared>>
      tpu.enqueue_dma source(%arg4 : memref<640xf32, #tpu.memory_space<hbm>>) target(%dma_start3A : memref<640xf32, #tpu.memory_space<vmem_shared>>) target_semaphore(%run_scoped3A_15 : memref<!tpu.dma_semaphore, #tpu.memory_space<semaphore_mem>>)
      %dma_wait3A = tpu.memref_slice %arg8[%multiple_of3A] : memref<10240xf32, #tpu.memory_space<vmem_shared>> -> memref<640xf32, #tpu.memory_space<vmem_shared>>
      tpu.wait_dma2 semaphore(%run_scoped3A_15 : memref<!tpu.dma_semaphore, #tpu.memory_space<semaphore_mem>>) src(%arg4 : memref<640xf32, #tpu.memory_space<hbm>>) dst(%dma_wait3A : memref<640xf32, #tpu.memory_space<vmem_shared>>)
      tpu.yield
    }) : () -> ()
    "tpu.region"() ({
      %run_scoped3A_15 = tpu.sem_alloc : memref<!tpu.dma_semaphore, #tpu.memory_space<semaphore_mem>>
      tpu.enqueue_dma source(%arg3 : memref<80xf32, #tpu.memory_space<hbm>>) target(%arg7 : memref<80xf32, #tpu.memory_space<vmem>>) target_semaphore(%run_scoped3A_15 : memref<!tpu.dma_semaphore, #tpu.memory_space<semaphore_mem>>)
      tpu.wait_dma2 semaphore(%run_scoped3A_15 : memref<!tpu.dma_semaphore, #tpu.memory_space<semaphore_mem>>) src(%arg3 : memref<80xf32, #tpu.memory_space<hbm>>) dst(%arg7 : memref<80xf32, #tpu.memory_space<vmem>>)
      tpu.yield
    }) : () -> ()
    %run_scoped3A = arith.constant 1 : i32
    "tpu.region"() ({
      %run_scoped3A_15 = tpu.sem_alloc : memref<!tpu.dma_semaphore, #tpu.memory_space<semaphore_mem>>
      %dma_start3A = arith.constant 0 : i32
      %dma_start3A_16 = arith.constant 0 : i32
      %dma_start3A_17 = tpu.memref_slice %arg2[%run_scoped3A, %add3A, %dma_start3A, %dma_start3A_16] : memref<2x32x125x80xi32, #tpu.memory_space<hbm>> -> memref<1x1x125x80xi32, #tpu.memory_space<hbm>>
      %dma_start3A_18 = tpu.memref_squeeze %dma_start3A_17 : memref<1x1x125x80xi32, #tpu.memory_space<hbm>> -> memref<125x80xi32, #tpu.memory_space<hbm>>
      %dma_start3A_19 = arith.constant 0 : i32
      %dma_start3A_20 = arith.constant 0 : i32
      %dma_start3A_21 = tpu.memref_slice %arg2[%run_scoped3A, %add3A, %dma_start3A_19, %dma_start3A_20] : memref<2x32x125x80xi32, #tpu.memory_space<hbm>> -> memref<1x1x125x80xi32, #tpu.memory_space<hbm>>
      %dma_start3A_22 = tpu.memref_squeeze %dma_start3A_21 : memref<1x1x125x80xi32, #tpu.memory_space<hbm>> -> memref<125x80xi32, #tpu.memory_space<hbm>>
      tpu.enqueue_dma source(%dma_start3A_22 : memref<125x80xi32, #tpu.memory_space<hbm>>) target(%arg6 : memref<125x80xi32, #tpu.memory_space<vmem>>) target_semaphore(%run_scoped3A_15 : memref<!tpu.dma_semaphore, #tpu.memory_space<semaphore_mem>>)
      %dma_wait3A = arith.constant 0 : i32
      %dma_wait3A_23 = arith.constant 0 : i32
      %dma_wait3A_24 = tpu.memref_slice %arg2[%run_scoped3A, %add3A, %dma_wait3A, %dma_wait3A_23] : memref<2x32x125x80xi32, #tpu.memory_space<hbm>> -> memref<1x1x125x80xi32, #tpu.memory_space<hbm>>
      %dma_wait3A_25 = tpu.memref_squeeze %dma_wait3A_24 : memref<1x1x125x80xi32, #tpu.memory_space<hbm>> -> memref<125x80xi32, #tpu.memory_space<hbm>>
      %dma_wait3A_26 = arith.constant 0 : i32
      %dma_wait3A_27 = arith.constant 0 : i32
      %dma_wait3A_28 = tpu.memref_slice %arg2[%run_scoped3A, %add3A, %dma_wait3A_26, %dma_wait3A_27] : memref<2x32x125x80xi32, #tpu.memory_space<hbm>> -> memref<1x1x125x80xi32, #tpu.memory_space<hbm>>
      %dma_wait3A_29 = tpu.memref_squeeze %dma_wait3A_28 : memref<1x1x125x80xi32, #tpu.memory_space<hbm>> -> memref<125x80xi32, #tpu.memory_space<hbm>>
      tpu.wait_dma2 semaphore(%run_scoped3A_15 : memref<!tpu.dma_semaphore, #tpu.memory_space<semaphore_mem>>) src(%dma_wait3A_29 : memref<125x80xi32, #tpu.memory_space<hbm>>) dst(%arg6 : memref<125x80xi32, #tpu.memory_space<vmem>>)
      tpu.yield
    }) : () -> ()
    %barrier3A = arith.constant 0 : index
    tpu.barrier barrier_id(%barrier3A)
    %scan3A = arith.constant 0 : i32
    %scan3A_3 = arith.constant 0 : i32
    %scan3A_4 = arith.constant 125 : i32
    %scan3A_5 = arith.addi %scan3A_3, %scan3A_4 : i32
    %scan3A_6 = arith.constant 1 : i32
    scf.for %scan3A_15 = %scan3A_3 to %scan3A_5 step %scan3A_6  : i32 {
      %dma_start3A = arith.constant 0 : i32
      %dma_start3A_16 = tpu.memref_slice %arg6[%scan3A_15, %dma_start3A] : memref<125x80xi32, #tpu.memory_space<vmem>> -> memref<1x80xi32, #tpu.memory_space<vmem>>
      %dma_start3A_17 = tpu.memref_squeeze %dma_start3A_16 : memref<1x80xi32, #tpu.memory_space<vmem>> -> memref<80xi32, #tpu.memory_space<vmem>>
      %dma_start3A_18 = arith.constant 0 : i32
      %dma_start3A_19 = tpu.memref_slice %arg8[%dma_start3A_18] : memref<10240xf32, #tpu.memory_space<vmem_shared>> -> memref<10240xf32, #tpu.memory_space<vmem_shared>>
      tpu.enqueue_indirect_dma source(%arg7 : memref<80xf32, #tpu.memory_space<vmem>>) target(%dma_start3A_19 : memref<10240xf32, #tpu.memory_space<vmem_shared>>) offsets(%dma_start3A_17 : memref<80xi32, #tpu.memory_space<vmem>>) semaphore(%arg9 : memref<!tpu.dma_semaphore, #tpu.memory_space<semaphore_mem>>) {add = true}
    }
    %scan3A_7 = arith.constant 125 : i32
    %scan3A_8 = arith.constant 0 : i32
    %scan3A_9 = arith.constant 0 : i32
    %scan3A_10 = arith.constant 125 : i32
    %scan3A_11 = arith.addi %scan3A_9, %scan3A_10 : i32
    %scan3A_12 = arith.constant 1 : i32
    scf.for %scan3A_15 = %scan3A_9 to %scan3A_11 step %scan3A_12  : i32 {
      %dma_wait3A = arith.constant 0 : i32
      %dma_wait3A_16 = tpu.memref_slice %arg6[%scan3A_15, %dma_wait3A] : memref<125x80xi32, #tpu.memory_space<vmem>> -> memref<1x80xi32, #tpu.memory_space<vmem>>
      %dma_wait3A_17 = tpu.memref_squeeze %dma_wait3A_16 : memref<1x80xi32, #tpu.memory_space<vmem>> -> memref<80xi32, #tpu.memory_space<vmem>>
      %dma_wait3A_18 = arith.constant 0 : i32
      %dma_wait3A_19 = tpu.memref_slice %arg8[%dma_wait3A_18] : memref<10240xf32, #tpu.memory_space<vmem_shared>> -> memref<10240xf32, #tpu.memory_space<vmem_shared>>
      tpu.wait_indirect_dma semaphore(%arg9 : memref<!tpu.dma_semaphore, #tpu.memory_space<semaphore_mem>>) src(%arg7 : memref<80xf32, #tpu.memory_space<vmem>>) dst(%dma_wait3A_19 : memref<10240xf32, #tpu.memory_space<vmem_shared>>)
    }
    %scan3A_13 = arith.constant 125 : i32
    %barrier3A_14 = arith.constant 0 : index
    tpu.barrier barrier_id(%barrier3A_14)
    "tpu.region"() ({
      %run_scoped3A_15 = tpu.sem_alloc : memref<!tpu.dma_semaphore, #tpu.memory_space<semaphore_mem>>
      %dma_start3A = tpu.memref_slice %arg5[%arg0, %multiple_of3A] : memref<2x10240xf32, #tpu.memory_space<hbm>> -> memref<1x640xf32, #tpu.memory_space<hbm>>
      %dma_start3A_16 = tpu.memref_squeeze %dma_start3A : memref<1x640xf32, #tpu.memory_space<hbm>> -> memref<640xf32, #tpu.memory_space<hbm>>
      %dma_start3A_17 = tpu.memref_slice %arg8[%multiple_of3A] : memref<10240xf32, #tpu.memory_space<vmem_shared>> -> memref<640xf32, #tpu.memory_space<vmem_shared>>
      tpu.enqueue_dma source(%dma_start3A_17 : memref<640xf32, #tpu.memory_space<vmem_shared>>) target(%dma_start3A_16 : memref<640xf32, #tpu.memory_space<hbm>>) target_semaphore(%run_scoped3A_15 : memref<!tpu.dma_semaphore, #tpu.memory_space<semaphore_mem>>)
      %dma_wait3A = tpu.memref_slice %arg5[%arg0, %multiple_of3A] : memref<2x10240xf32, #tpu.memory_space<hbm>> -> memref<1x640xf32, #tpu.memory_space<hbm>>
      %dma_wait3A_18 = tpu.memref_squeeze %dma_wait3A : memref<1x640xf32, #tpu.memory_space<hbm>> -> memref<640xf32, #tpu.memory_space<hbm>>
      %dma_wait3A_19 = tpu.memref_slice %arg8[%multiple_of3A] : memref<10240xf32, #tpu.memory_space<vmem_shared>> -> memref<640xf32, #tpu.memory_space<vmem_shared>>
      tpu.wait_dma2 semaphore(%run_scoped3A_15 : memref<!tpu.dma_semaphore, #tpu.memory_space<semaphore_mem>>) src(%dma_wait3A_19 : memref<640xf32, #tpu.memory_space<vmem_shared>>) dst(%dma_wait3A_18 : memref<640xf32, #tpu.memory_space<hbm>>)
      tpu.yield
    }) : () -> ()
    return
  }
}

#map = affine_map<(d0, d1) -> (0, 0)>
#map1 = affine_map<(d0, d1) -> (0, 0, 0, 0)>
#map2 = affine_map<(d0, d1) -> (0, 0, 0)>
module attributes {stable_mosaic.version = 14 : i64} {
  func.func @_agg32_kernel(%arg0: i32, %arg1: i32, %arg2: memref<10000x32xf32, #tpu.memory_space<hbm>>, %arg3: memref<2x32x125x80xi32, #tpu.memory_space<hbm>>, %arg4: memref<640x32xf32, #tpu.memory_space<hbm>>, %arg5: memref<2x10240x32xf32, #tpu.memory_space<hbm>>, %arg6: memref<125x80xi32, #tpu.memory_space<vmem>>, %arg7: memref<125x80xi32, #tpu.memory_space<vmem>>, %arg8: memref<15x80x32xf32, #tpu.memory_space<vmem>>, %arg9: memref<10240x32xf32, #tpu.memory_space<vmem_shared>>, %arg10: memref<!tpu.dma_semaphore, #tpu.memory_space<semaphore_mem>>, %arg11: memref<!tpu.dma_semaphore, #tpu.memory_space<semaphore_mem>>) attributes {dimension_semantics = [#tpu.dimension_semantics<core_parallel>, #tpu.dimension_semantics<subcore_parallel>], iteration_bounds = array<i64: 2, 16>, scalar_prefetch = 0 : i64, scratch_operands = 6 : i64, tpu.core_type = #tpu.core_type<sc_vector_subcore>, window_params = [{transform_indices = #map}, {transform_indices = #map1}, {transform_indices = #map}, {transform_indices = #map2}]} {
    %mul3A = arith.constant 16 : i32
    %mul3A_0 = arith.muli %arg0, %mul3A : i32
    %add3A = arith.addi %mul3A_0, %arg1 : i32
    %mul3A_1 = arith.constant 640 : i32
    %mul3A_2 = arith.muli %arg1, %mul3A_1 : i32
    %multiple_of3A = tpu.assume_multiple %mul3A_2, 8 : i32
    %eq3A = arith.constant 0 : i32
    %eq3A_3 = arith.cmpi eq, %arg0, %eq3A : i32
    %lt3A = arith.constant 15 : i32
    %lt3A_4 = arith.cmpi slt, %arg1, %lt3A : i32
    %and3A = arith.andi %eq3A_3, %lt3A_4 : i1
    %convert_element_type3A = arith.extui %and3A : i1 to i32
    %cond3A = arith.constant 0 : i32
    %cond3A_5 = arith.cmpi ne, %convert_element_type3A, %cond3A : i32
    scf.if %cond3A_5 {
      "tpu.region"() ({
        %run_scoped3A_204 = tpu.sem_alloc : memref<!tpu.dma_semaphore, #tpu.memory_space<semaphore_mem>>
        %dma_start3A_205 = arith.constant 0 : i32
        %dma_start3A_206 = tpu.memref_slice %arg9[%multiple_of3A, %dma_start3A_205] : memref<10240x32xf32, #tpu.memory_space<vmem_shared>> -> memref<640x32xf32, #tpu.memory_space<vmem_shared>>
        %dma_start3A_207 = arith.constant 0 : i32
        %dma_start3A_208 = tpu.memref_slice %arg2[%multiple_of3A, %dma_start3A_207] : memref<10000x32xf32, #tpu.memory_space<hbm>> -> memref<640x32xf32, #tpu.memory_space<hbm>>
        tpu.enqueue_dma source(%dma_start3A_208 : memref<640x32xf32, #tpu.memory_space<hbm>>) target(%dma_start3A_206 : memref<640x32xf32, #tpu.memory_space<vmem_shared>>) target_semaphore(%run_scoped3A_204 : memref<!tpu.dma_semaphore, #tpu.memory_space<semaphore_mem>>)
        %dma_wait3A_209 = arith.constant 0 : i32
        %dma_wait3A_210 = tpu.memref_slice %arg9[%multiple_of3A, %dma_wait3A_209] : memref<10240x32xf32, #tpu.memory_space<vmem_shared>> -> memref<640x32xf32, #tpu.memory_space<vmem_shared>>
        %dma_wait3A_211 = arith.constant 0 : i32
        %dma_wait3A_212 = tpu.memref_slice %arg2[%multiple_of3A, %dma_wait3A_211] : memref<10000x32xf32, #tpu.memory_space<hbm>> -> memref<640x32xf32, #tpu.memory_space<hbm>>
        tpu.wait_dma2 semaphore(%run_scoped3A_204 : memref<!tpu.dma_semaphore, #tpu.memory_space<semaphore_mem>>) src(%dma_wait3A_212 : memref<640x32xf32, #tpu.memory_space<hbm>>) dst(%dma_wait3A_210 : memref<640x32xf32, #tpu.memory_space<vmem_shared>>)
        tpu.yield
      }) : () -> ()
    } else {
    }
    %eq3A_6 = arith.constant 0 : i32
    %eq3A_7 = arith.cmpi eq, %arg0, %eq3A_6 : i32
    %eq3A_8 = arith.constant 15 : i32
    %eq3A_9 = arith.cmpi eq, %arg1, %eq3A_8 : i32
    %and3A_10 = arith.andi %eq3A_7, %eq3A_9 : i1
    %convert_element_type3A_11 = arith.extui %and3A_10 : i1 to i32
    %cond3A_12 = arith.constant 0 : i32
    %cond3A_13 = arith.cmpi ne, %convert_element_type3A_11, %cond3A_12 : i32
    scf.if %cond3A_13 {
      "tpu.region"() ({
        %run_scoped3A_204 = tpu.sem_alloc : memref<!tpu.dma_semaphore, #tpu.memory_space<semaphore_mem>>
        %dma_start3A_205 = arith.constant 9600 : i32
        %dma_start3A_206 = arith.constant 0 : i32
        %dma_start3A_207 = tpu.memref_slice %arg9[%dma_start3A_205, %dma_start3A_206] : memref<10240x32xf32, #tpu.memory_space<vmem_shared>> -> memref<400x32xf32, #tpu.memory_space<vmem_shared>>
        %dma_start3A_208 = arith.constant 9600 : i32
        %dma_start3A_209 = arith.constant 0 : i32
        %dma_start3A_210 = tpu.memref_slice %arg2[%dma_start3A_208, %dma_start3A_209] : memref<10000x32xf32, #tpu.memory_space<hbm>> -> memref<400x32xf32, #tpu.memory_space<hbm>>
        tpu.enqueue_dma source(%dma_start3A_210 : memref<400x32xf32, #tpu.memory_space<hbm>>) target(%dma_start3A_207 : memref<400x32xf32, #tpu.memory_space<vmem_shared>>) target_semaphore(%run_scoped3A_204 : memref<!tpu.dma_semaphore, #tpu.memory_space<semaphore_mem>>)
        %dma_wait3A_211 = arith.constant 9600 : i32
        %dma_wait3A_212 = arith.constant 0 : i32
        %dma_wait3A_213 = tpu.memref_slice %arg9[%dma_wait3A_211, %dma_wait3A_212] : memref<10240x32xf32, #tpu.memory_space<vmem_shared>> -> memref<400x32xf32, #tpu.memory_space<vmem_shared>>
        %dma_wait3A_214 = arith.constant 9600 : i32
        %dma_wait3A_215 = arith.constant 0 : i32
        %dma_wait3A_216 = tpu.memref_slice %arg2[%dma_wait3A_214, %dma_wait3A_215] : memref<10000x32xf32, #tpu.memory_space<hbm>> -> memref<400x32xf32, #tpu.memory_space<hbm>>
        tpu.wait_dma2 semaphore(%run_scoped3A_204 : memref<!tpu.dma_semaphore, #tpu.memory_space<semaphore_mem>>) src(%dma_wait3A_216 : memref<400x32xf32, #tpu.memory_space<hbm>>) dst(%dma_wait3A_213 : memref<400x32xf32, #tpu.memory_space<vmem_shared>>)
        tpu.yield
      }) : () -> ()
      "tpu.region"() ({
        %run_scoped3A_204 = tpu.sem_alloc : memref<!tpu.dma_semaphore, #tpu.memory_space<semaphore_mem>>
        %dma_start3A_205 = arith.constant 10000 : i32
        %dma_start3A_206 = arith.constant 0 : i32
        %dma_start3A_207 = tpu.memref_slice %arg9[%dma_start3A_205, %dma_start3A_206] : memref<10240x32xf32, #tpu.memory_space<vmem_shared>> -> memref<240x32xf32, #tpu.memory_space<vmem_shared>>
        %dma_start3A_208 = arith.constant 0 : i32
        %dma_start3A_209 = arith.constant 0 : i32
        %dma_start3A_210 = tpu.memref_slice %arg4[%dma_start3A_208, %dma_start3A_209] : memref<640x32xf32, #tpu.memory_space<hbm>> -> memref<240x32xf32, #tpu.memory_space<hbm>>
        tpu.enqueue_dma source(%dma_start3A_210 : memref<240x32xf32, #tpu.memory_space<hbm>>) target(%dma_start3A_207 : memref<240x32xf32, #tpu.memory_space<vmem_shared>>) target_semaphore(%run_scoped3A_204 : memref<!tpu.dma_semaphore, #tpu.memory_space<semaphore_mem>>)
        %dma_wait3A_211 = arith.constant 10000 : i32
        %dma_wait3A_212 = arith.constant 0 : i32
        %dma_wait3A_213 = tpu.memref_slice %arg9[%dma_wait3A_211, %dma_wait3A_212] : memref<10240x32xf32, #tpu.memory_space<vmem_shared>> -> memref<240x32xf32, #tpu.memory_space<vmem_shared>>
        %dma_wait3A_214 = arith.constant 0 : i32
        %dma_wait3A_215 = arith.constant 0 : i32
        %dma_wait3A_216 = tpu.memref_slice %arg4[%dma_wait3A_214, %dma_wait3A_215] : memref<640x32xf32, #tpu.memory_space<hbm>> -> memref<240x32xf32, #tpu.memory_space<hbm>>
        tpu.wait_dma2 semaphore(%run_scoped3A_204 : memref<!tpu.dma_semaphore, #tpu.memory_space<semaphore_mem>>) src(%dma_wait3A_216 : memref<240x32xf32, #tpu.memory_space<hbm>>) dst(%dma_wait3A_213 : memref<240x32xf32, #tpu.memory_space<vmem_shared>>)
        tpu.yield
      }) : () -> ()
    } else {
    }
    %eq3A_14 = arith.constant 1 : i32
    %eq3A_15 = arith.cmpi eq, %arg0, %eq3A_14 : i32
    %convert_element_type3A_16 = arith.extui %eq3A_15 : i1 to i32
    %cond3A_17 = arith.constant 0 : i32
    %cond3A_18 = arith.cmpi ne, %convert_element_type3A_16, %cond3A_17 : i32
    scf.if %cond3A_18 {
      "tpu.region"() ({
        %run_scoped3A_204 = tpu.sem_alloc : memref<!tpu.dma_semaphore, #tpu.memory_space<semaphore_mem>>
        %dma_start3A_205 = arith.constant 0 : i32
        %dma_start3A_206 = tpu.memref_slice %arg9[%multiple_of3A, %dma_start3A_205] : memref<10240x32xf32, #tpu.memory_space<vmem_shared>> -> memref<640x32xf32, #tpu.memory_space<vmem_shared>>
        tpu.enqueue_dma source(%arg4 : memref<640x32xf32, #tpu.memory_space<hbm>>) target(%dma_start3A_206 : memref<640x32xf32, #tpu.memory_space<vmem_shared>>) target_semaphore(%run_scoped3A_204 : memref<!tpu.dma_semaphore, #tpu.memory_space<semaphore_mem>>)
        %dma_wait3A_207 = arith.constant 0 : i32
        %dma_wait3A_208 = tpu.memref_slice %arg9[%multiple_of3A, %dma_wait3A_207] : memref<10240x32xf32, #tpu.memory_space<vmem_shared>> -> memref<640x32xf32, #tpu.memory_space<vmem_shared>>
        tpu.wait_dma2 semaphore(%run_scoped3A_204 : memref<!tpu.dma_semaphore, #tpu.memory_space<semaphore_mem>>) src(%arg4 : memref<640x32xf32, #tpu.memory_space<hbm>>) dst(%dma_wait3A_208 : memref<640x32xf32, #tpu.memory_space<vmem_shared>>)
        tpu.yield
      }) : () -> ()
    } else {
    }
    %run_scoped3A = arith.constant 0 : i32
    "tpu.region"() ({
      %run_scoped3A_204 = tpu.sem_alloc : memref<!tpu.dma_semaphore, #tpu.memory_space<semaphore_mem>>
      %dma_start3A_205 = arith.constant 0 : i32
      %dma_start3A_206 = arith.constant 0 : i32
      %dma_start3A_207 = tpu.memref_slice %arg3[%run_scoped3A, %add3A, %dma_start3A_205, %dma_start3A_206] : memref<2x32x125x80xi32, #tpu.memory_space<hbm>> -> memref<1x1x125x80xi32, #tpu.memory_space<hbm>>
      %dma_start3A_208 = tpu.memref_squeeze %dma_start3A_207 : memref<1x1x125x80xi32, #tpu.memory_space<hbm>> -> memref<125x80xi32, #tpu.memory_space<hbm>>
      %dma_start3A_209 = arith.constant 0 : i32
      %dma_start3A_210 = arith.constant 0 : i32
      %dma_start3A_211 = tpu.memref_slice %arg3[%run_scoped3A, %add3A, %dma_start3A_209, %dma_start3A_210] : memref<2x32x125x80xi32, #tpu.memory_space<hbm>> -> memref<1x1x125x80xi32, #tpu.memory_space<hbm>>
      %dma_start3A_212 = tpu.memref_squeeze %dma_start3A_211 : memref<1x1x125x80xi32, #tpu.memory_space<hbm>> -> memref<125x80xi32, #tpu.memory_space<hbm>>
      tpu.enqueue_dma source(%dma_start3A_212 : memref<125x80xi32, #tpu.memory_space<hbm>>) target(%arg6 : memref<125x80xi32, #tpu.memory_space<vmem>>) target_semaphore(%run_scoped3A_204 : memref<!tpu.dma_semaphore, #tpu.memory_space<semaphore_mem>>)
      %dma_wait3A_213 = arith.constant 0 : i32
      %dma_wait3A_214 = arith.constant 0 : i32
      %dma_wait3A_215 = tpu.memref_slice %arg3[%run_scoped3A, %add3A, %dma_wait3A_213, %dma_wait3A_214] : memref<2x32x125x80xi32, #tpu.memory_space<hbm>> -> memref<1x1x125x80xi32, #tpu.memory_space<hbm>>
      %dma_wait3A_216 = tpu.memref_squeeze %dma_wait3A_215 : memref<1x1x125x80xi32, #tpu.memory_space<hbm>> -> memref<125x80xi32, #tpu.memory_space<hbm>>
      %dma_wait3A_217 = arith.constant 0 : i32
      %dma_wait3A_218 = arith.constant 0 : i32
      %dma_wait3A_219 = tpu.memref_slice %arg3[%run_scoped3A, %add3A, %dma_wait3A_217, %dma_wait3A_218] : memref<2x32x125x80xi32, #tpu.memory_space<hbm>> -> memref<1x1x125x80xi32, #tpu.memory_space<hbm>>
      %dma_wait3A_220 = tpu.memref_squeeze %dma_wait3A_219 : memref<1x1x125x80xi32, #tpu.memory_space<hbm>> -> memref<125x80xi32, #tpu.memory_space<hbm>>
      tpu.wait_dma2 semaphore(%run_scoped3A_204 : memref<!tpu.dma_semaphore, #tpu.memory_space<semaphore_mem>>) src(%dma_wait3A_220 : memref<125x80xi32, #tpu.memory_space<hbm>>) dst(%arg6 : memref<125x80xi32, #tpu.memory_space<vmem>>)
      tpu.yield
    }) : () -> ()
    %run_scoped3A_19 = arith.constant 1 : i32
    "tpu.region"() ({
      %run_scoped3A_204 = tpu.sem_alloc : memref<!tpu.dma_semaphore, #tpu.memory_space<semaphore_mem>>
      %dma_start3A_205 = arith.constant 0 : i32
      %dma_start3A_206 = arith.constant 0 : i32
      %dma_start3A_207 = tpu.memref_slice %arg3[%run_scoped3A_19, %add3A, %dma_start3A_205, %dma_start3A_206] : memref<2x32x125x80xi32, #tpu.memory_space<hbm>> -> memref<1x1x125x80xi32, #tpu.memory_space<hbm>>
      %dma_start3A_208 = tpu.memref_squeeze %dma_start3A_207 : memref<1x1x125x80xi32, #tpu.memory_space<hbm>> -> memref<125x80xi32, #tpu.memory_space<hbm>>
      %dma_start3A_209 = arith.constant 0 : i32
      %dma_start3A_210 = arith.constant 0 : i32
      %dma_start3A_211 = tpu.memref_slice %arg3[%run_scoped3A_19, %add3A, %dma_start3A_209, %dma_start3A_210] : memref<2x32x125x80xi32, #tpu.memory_space<hbm>> -> memref<1x1x125x80xi32, #tpu.memory_space<hbm>>
      %dma_start3A_212 = tpu.memref_squeeze %dma_start3A_211 : memref<1x1x125x80xi32, #tpu.memory_space<hbm>> -> memref<125x80xi32, #tpu.memory_space<hbm>>
      tpu.enqueue_dma source(%dma_start3A_212 : memref<125x80xi32, #tpu.memory_space<hbm>>) target(%arg7 : memref<125x80xi32, #tpu.memory_space<vmem>>) target_semaphore(%run_scoped3A_204 : memref<!tpu.dma_semaphore, #tpu.memory_space<semaphore_mem>>)
      %dma_wait3A_213 = arith.constant 0 : i32
      %dma_wait3A_214 = arith.constant 0 : i32
      %dma_wait3A_215 = tpu.memref_slice %arg3[%run_scoped3A_19, %add3A, %dma_wait3A_213, %dma_wait3A_214] : memref<2x32x125x80xi32, #tpu.memory_space<hbm>> -> memref<1x1x125x80xi32, #tpu.memory_space<hbm>>
      %dma_wait3A_216 = tpu.memref_squeeze %dma_wait3A_215 : memref<1x1x125x80xi32, #tpu.memory_space<hbm>> -> memref<125x80xi32, #tpu.memory_space<hbm>>
      %dma_wait3A_217 = arith.constant 0 : i32
      %dma_wait3A_218 = arith.constant 0 : i32
      %dma_wait3A_219 = tpu.memref_slice %arg3[%run_scoped3A_19, %add3A, %dma_wait3A_217, %dma_wait3A_218] : memref<2x32x125x80xi32, #tpu.memory_space<hbm>> -> memref<1x1x125x80xi32, #tpu.memory_space<hbm>>
      %dma_wait3A_220 = tpu.memref_squeeze %dma_wait3A_219 : memref<1x1x125x80xi32, #tpu.memory_space<hbm>> -> memref<125x80xi32, #tpu.memory_space<hbm>>
      tpu.wait_dma2 semaphore(%run_scoped3A_204 : memref<!tpu.dma_semaphore, #tpu.memory_space<semaphore_mem>>) src(%dma_wait3A_220 : memref<125x80xi32, #tpu.memory_space<hbm>>) dst(%arg7 : memref<125x80xi32, #tpu.memory_space<vmem>>)
      tpu.yield
    }) : () -> ()
    %barrier3A = arith.constant 0 : index
    tpu.barrier barrier_id(%barrier3A)
    %dma_start3A = arith.constant 0 : i32
    %dma_start3A_20 = arith.constant 0 : i32
    %dma_start3A_21 = arith.constant 0 : i32
    %dma_start3A_22 = arith.constant 0 : i32
    %dma_start3A_23 = tpu.memref_slice %arg8[%dma_start3A_20, %dma_start3A_21, %dma_start3A_22] : memref<15x80x32xf32, #tpu.memory_space<vmem>> -> memref<1x80x32xf32, #tpu.memory_space<vmem>>
    %dma_start3A_24 = tpu.memref_squeeze %dma_start3A_23 : memref<1x80x32xf32, #tpu.memory_space<vmem>> -> memref<80x32xf32, #tpu.memory_space<vmem>>
    %dma_start3A_25 = arith.constant 0 : i32
    %dma_start3A_26 = tpu.memref_slice %arg6[%dma_start3A, %dma_start3A_25] : memref<125x80xi32, #tpu.memory_space<vmem>> -> memref<1x80xi32, #tpu.memory_space<vmem>>
    %dma_start3A_27 = tpu.memref_squeeze %dma_start3A_26 : memref<1x80xi32, #tpu.memory_space<vmem>> -> memref<80xi32, #tpu.memory_space<vmem>>
    %dma_start3A_28 = arith.constant 0 : i32
    %dma_start3A_29 = arith.constant 0 : i32
    %dma_start3A_30 = tpu.memref_slice %arg2[%dma_start3A_28, %dma_start3A_29] : memref<10000x32xf32, #tpu.memory_space<hbm>> -> memref<10000x32xf32, #tpu.memory_space<hbm>>
    tpu.enqueue_indirect_dma source(%dma_start3A_30 : memref<10000x32xf32, #tpu.memory_space<hbm>>) target(%dma_start3A_24 : memref<80x32xf32, #tpu.memory_space<vmem>>) offsets(%dma_start3A_27 : memref<80xi32, #tpu.memory_space<vmem>>) semaphore(%arg10 : memref<!tpu.dma_semaphore, #tpu.memory_space<semaphore_mem>>)
    %dma_start3A_31 = arith.constant 1 : i32
    %dma_start3A_32 = arith.constant 1 : i32
    %dma_start3A_33 = arith.constant 0 : i32
    %dma_start3A_34 = arith.constant 0 : i32
    %dma_start3A_35 = tpu.memref_slice %arg8[%dma_start3A_32, %dma_start3A_33, %dma_start3A_34] : memref<15x80x32xf32, #tpu.memory_space<vmem>> -> memref<1x80x32xf32, #tpu.memory_space<vmem>>
    %dma_start3A_36 = tpu.memref_squeeze %dma_start3A_35 : memref<1x80x32xf32, #tpu.memory_space<vmem>> -> memref<80x32xf32, #tpu.memory_space<vmem>>
    %dma_start3A_37 = arith.constant 0 : i32
    %dma_start3A_38 = tpu.memref_slice %arg6[%dma_start3A_31, %dma_start3A_37] : memref<125x80xi32, #tpu.memory_space<vmem>> -> memref<1x80xi32, #tpu.memory_space<vmem>>
    %dma_start3A_39 = tpu.memref_squeeze %dma_start3A_38 : memref<1x80xi32, #tpu.memory_space<vmem>> -> memref<80xi32, #tpu.memory_space<vmem>>
    %dma_start3A_40 = arith.constant 0 : i32
    %dma_start3A_41 = arith.constant 0 : i32
    %dma_start3A_42 = tpu.memref_slice %arg2[%dma_start3A_40, %dma_start3A_41] : memref<10000x32xf32, #tpu.memory_space<hbm>> -> memref<10000x32xf32, #tpu.memory_space<hbm>>
    tpu.enqueue_indirect_dma source(%dma_start3A_42 : memref<10000x32xf32, #tpu.memory_space<hbm>>) target(%dma_start3A_36 : memref<80x32xf32, #tpu.memory_space<vmem>>) offsets(%dma_start3A_39 : memref<80xi32, #tpu.memory_space<vmem>>) semaphore(%arg10 : memref<!tpu.dma_semaphore, #tpu.memory_space<semaphore_mem>>)
    %dma_start3A_43 = arith.constant 2 : i32
    %dma_start3A_44 = arith.constant 2 : i32
    %dma_start3A_45 = arith.constant 0 : i32
    %dma_start3A_46 = arith.constant 0 : i32
    %dma_start3A_47 = tpu.memref_slice %arg8[%dma_start3A_44, %dma_start3A_45, %dma_start3A_46] : memref<15x80x32xf32, #tpu.memory_space<vmem>> -> memref<1x80x32xf32, #tpu.memory_space<vmem>>
    %dma_start3A_48 = tpu.memref_squeeze %dma_start3A_47 : memref<1x80x32xf32, #tpu.memory_space<vmem>> -> memref<80x32xf32, #tpu.memory_space<vmem>>
    %dma_start3A_49 = arith.constant 0 : i32
    %dma_start3A_50 = tpu.memref_slice %arg6[%dma_start3A_43, %dma_start3A_49] : memref<125x80xi32, #tpu.memory_space<vmem>> -> memref<1x80xi32, #tpu.memory_space<vmem>>
    %dma_start3A_51 = tpu.memref_squeeze %dma_start3A_50 : memref<1x80xi32, #tpu.memory_space<vmem>> -> memref<80xi32, #tpu.memory_space<vmem>>
    %dma_start3A_52 = arith.constant 0 : i32
    %dma_start3A_53 = arith.constant 0 : i32
    %dma_start3A_54 = tpu.memref_slice %arg2[%dma_start3A_52, %dma_start3A_53] : memref<10000x32xf32, #tpu.memory_space<hbm>> -> memref<10000x32xf32, #tpu.memory_space<hbm>>
    tpu.enqueue_indirect_dma source(%dma_start3A_54 : memref<10000x32xf32, #tpu.memory_space<hbm>>) target(%dma_start3A_48 : memref<80x32xf32, #tpu.memory_space<vmem>>) offsets(%dma_start3A_51 : memref<80xi32, #tpu.memory_space<vmem>>) semaphore(%arg10 : memref<!tpu.dma_semaphore, #tpu.memory_space<semaphore_mem>>)
    %dma_start3A_55 = arith.constant 3 : i32
    %dma_start3A_56 = arith.constant 3 : i32
    %dma_start3A_57 = arith.constant 0 : i32
    %dma_start3A_58 = arith.constant 0 : i32
    %dma_start3A_59 = tpu.memref_slice %arg8[%dma_start3A_56, %dma_start3A_57, %dma_start3A_58] : memref<15x80x32xf32, #tpu.memory_space<vmem>> -> memref<1x80x32xf32, #tpu.memory_space<vmem>>
    %dma_start3A_60 = tpu.memref_squeeze %dma_start3A_59 : memref<1x80x32xf32, #tpu.memory_space<vmem>> -> memref<80x32xf32, #tpu.memory_space<vmem>>
    %dma_start3A_61 = arith.constant 0 : i32
    %dma_start3A_62 = tpu.memref_slice %arg6[%dma_start3A_55, %dma_start3A_61] : memref<125x80xi32, #tpu.memory_space<vmem>> -> memref<1x80xi32, #tpu.memory_space<vmem>>
    %dma_start3A_63 = tpu.memref_squeeze %dma_start3A_62 : memref<1x80xi32, #tpu.memory_space<vmem>> -> memref<80xi32, #tpu.memory_space<vmem>>
    %dma_start3A_64 = arith.constant 0 : i32
    %dma_start3A_65 = arith.constant 0 : i32
    %dma_start3A_66 = tpu.memref_slice %arg2[%dma_start3A_64, %dma_start3A_65] : memref<10000x32xf32, #tpu.memory_space<hbm>> -> memref<10000x32xf32, #tpu.memory_space<hbm>>
    tpu.enqueue_indirect_dma source(%dma_start3A_66 : memref<10000x32xf32, #tpu.memory_space<hbm>>) target(%dma_start3A_60 : memref<80x32xf32, #tpu.memory_space<vmem>>) offsets(%dma_start3A_63 : memref<80xi32, #tpu.memory_space<vmem>>) semaphore(%arg10 : memref<!tpu.dma_semaphore, #tpu.memory_space<semaphore_mem>>)
    %dma_start3A_67 = arith.constant 4 : i32
    %dma_start3A_68 = arith.constant 4 : i32
    %dma_start3A_69 = arith.constant 0 : i32
    %dma_start3A_70 = arith.constant 0 : i32
    %dma_start3A_71 = tpu.memref_slice %arg8[%dma_start3A_68, %dma_start3A_69, %dma_start3A_70] : memref<15x80x32xf32, #tpu.memory_space<vmem>> -> memref<1x80x32xf32, #tpu.memory_space<vmem>>
    %dma_start3A_72 = tpu.memref_squeeze %dma_start3A_71 : memref<1x80x32xf32, #tpu.memory_space<vmem>> -> memref<80x32xf32, #tpu.memory_space<vmem>>
    %dma_start3A_73 = arith.constant 0 : i32
    %dma_start3A_74 = tpu.memref_slice %arg6[%dma_start3A_67, %dma_start3A_73] : memref<125x80xi32, #tpu.memory_space<vmem>> -> memref<1x80xi32, #tpu.memory_space<vmem>>
    %dma_start3A_75 = tpu.memref_squeeze %dma_start3A_74 : memref<1x80xi32, #tpu.memory_space<vmem>> -> memref<80xi32, #tpu.memory_space<vmem>>
    %dma_start3A_76 = arith.constant 0 : i32
    %dma_start3A_77 = arith.constant 0 : i32
    %dma_start3A_78 = tpu.memref_slice %arg2[%dma_start3A_76, %dma_start3A_77] : memref<10000x32xf32, #tpu.memory_space<hbm>> -> memref<10000x32xf32, #tpu.memory_space<hbm>>
    tpu.enqueue_indirect_dma source(%dma_start3A_78 : memref<10000x32xf32, #tpu.memory_space<hbm>>) target(%dma_start3A_72 : memref<80x32xf32, #tpu.memory_space<vmem>>) offsets(%dma_start3A_75 : memref<80xi32, #tpu.memory_space<vmem>>) semaphore(%arg10 : memref<!tpu.dma_semaphore, #tpu.memory_space<semaphore_mem>>)
    %scan3A = arith.constant 0 : i32
    %scan3A_79 = arith.constant 0 : i32
    %scan3A_80 = arith.constant 25 : i32
    %scan3A_81 = arith.addi %scan3A_79, %scan3A_80 : i32
    %scan3A_82 = arith.constant 1 : i32
    scf.for %scan3A_204 = %scan3A_79 to %scan3A_81 step %scan3A_82  : i32 {
      %rem3A = arith.constant 3 : i32
      %rem3A_205 = arith.remsi %scan3A_204, %rem3A : i32
      %add3A_206 = arith.constant 1 : i32
      %add3A_207 = arith.addi %scan3A_204, %add3A_206 : i32
      %rem3A_208 = arith.constant 3 : i32
      %rem3A_209 = arith.remsi %add3A_207, %rem3A_208 : i32
      %mul3A_210 = arith.constant 5 : i32
      %mul3A_211 = arith.muli %rem3A_205, %mul3A_210 : i32
      %mul3A_212 = arith.constant 5 : i32
      %mul3A_213 = arith.muli %rem3A_209, %mul3A_212 : i32
      %mul3A_214 = arith.constant 5 : i32
      %mul3A_215 = arith.muli %scan3A_204, %mul3A_214 : i32
      %gt3A = arith.constant 1 : i32
      %gt3A_216 = arith.cmpi sgt, %scan3A_204, %gt3A : i32
      %convert_element_type3A_217 = arith.extui %gt3A_216 : i1 to i32
      %cond3A_218 = arith.constant 0 : i32
      %cond3A_219 = arith.cmpi ne, %convert_element_type3A_217, %cond3A_218 : i32
      scf.if %cond3A_219 {
        %sub3A = arith.constant 10 : i32
        %sub3A_365 = arith.subi %mul3A_215, %sub3A : i32
        %add3A_366 = arith.constant 0 : i32
        %add3A_367 = arith.addi %sub3A_365, %add3A_366 : i32
        %add3A_368 = arith.constant 0 : i32
        %add3A_369 = arith.addi %mul3A_213, %add3A_368 : i32
        %dma_wait3A_370 = arith.constant 0 : i32
        %dma_wait3A_371 = arith.constant 0 : i32
        %dma_wait3A_372 = tpu.memref_slice %arg8[%add3A_369, %dma_wait3A_370, %dma_wait3A_371] : memref<15x80x32xf32, #tpu.memory_space<vmem>> -> memref<1x80x32xf32, #tpu.memory_space<vmem>>
        %dma_wait3A_373 = tpu.memref_squeeze %dma_wait3A_372 : memref<1x80x32xf32, #tpu.memory_space<vmem>> -> memref<80x32xf32, #tpu.memory_space<vmem>>
        %dma_wait3A_374 = arith.constant 0 : i32
        %dma_wait3A_375 = tpu.memref_slice %arg7[%add3A_367, %dma_wait3A_374] : memref<125x80xi32, #tpu.memory_space<vmem>> -> memref<1x80xi32, #tpu.memory_space<vmem>>
        %dma_wait3A_376 = tpu.memref_squeeze %dma_wait3A_375 : memref<1x80xi32, #tpu.memory_space<vmem>> -> memref<80xi32, #tpu.memory_space<vmem>>
        %dma_wait3A_377 = arith.constant 0 : i32
        %dma_wait3A_378 = arith.constant 0 : i32
        %dma_wait3A_379 = tpu.memref_slice %arg9[%dma_wait3A_377, %dma_wait3A_378] : memref<10240x32xf32, #tpu.memory_space<vmem_shared>> -> memref<10240x32xf32, #tpu.memory_space<vmem_shared>>
        tpu.wait_indirect_dma semaphore(%arg11 : memref<!tpu.dma_semaphore, #tpu.memory_space<semaphore_mem>>) src(%dma_wait3A_373 : memref<80x32xf32, #tpu.memory_space<vmem>>) dst(%dma_wait3A_379 : memref<10240x32xf32, #tpu.memory_space<vmem_shared>>)
        %sub3A_380 = arith.constant 10 : i32
        %sub3A_381 = arith.subi %mul3A_215, %sub3A_380 : i32
        %add3A_382 = arith.constant 1 : i32
        %add3A_383 = arith.addi %sub3A_381, %add3A_382 : i32
        %add3A_384 = arith.constant 1 : i32
        %add3A_385 = arith.addi %mul3A_213, %add3A_384 : i32
        %dma_wait3A_386 = arith.constant 0 : i32
        %dma_wait3A_387 = arith.constant 0 : i32
        %dma_wait3A_388 = tpu.memref_slice %arg8[%add3A_385, %dma_wait3A_386, %dma_wait3A_387] : memref<15x80x32xf32, #tpu.memory_space<vmem>> -> memref<1x80x32xf32, #tpu.memory_space<vmem>>
        %dma_wait3A_389 = tpu.memref_squeeze %dma_wait3A_388 : memref<1x80x32xf32, #tpu.memory_space<vmem>> -> memref<80x32xf32, #tpu.memory_space<vmem>>
        %dma_wait3A_390 = arith.constant 0 : i32
        %dma_wait3A_391 = tpu.memref_slice %arg7[%add3A_383, %dma_wait3A_390] : memref<125x80xi32, #tpu.memory_space<vmem>> -> memref<1x80xi32, #tpu.memory_space<vmem>>
        %dma_wait3A_392 = tpu.memref_squeeze %dma_wait3A_391 : memref<1x80xi32, #tpu.memory_space<vmem>> -> memref<80xi32, #tpu.memory_space<vmem>>
        %dma_wait3A_393 = arith.constant 0 : i32
        %dma_wait3A_394 = arith.constant 0 : i32
        %dma_wait3A_395 = tpu.memref_slice %arg9[%dma_wait3A_393, %dma_wait3A_394] : memref<10240x32xf32, #tpu.memory_space<vmem_shared>> -> memref<10240x32xf32, #tpu.memory_space<vmem_shared>>
        tpu.wait_indirect_dma semaphore(%arg11 : memref<!tpu.dma_semaphore, #tpu.memory_space<semaphore_mem>>) src(%dma_wait3A_389 : memref<80x32xf32, #tpu.memory_space<vmem>>) dst(%dma_wait3A_395 : memref<10240x32xf32, #tpu.memory_space<vmem_shared>>)
        %sub3A_396 = arith.constant 10 : i32
        %sub3A_397 = arith.subi %mul3A_215, %sub3A_396 : i32
        %add3A_398 = arith.constant 2 : i32
        %add3A_399 = arith.addi %sub3A_397, %add3A_398 : i32
        %add3A_400 = arith.constant 2 : i32
        %add3A_401 = arith.addi %mul3A_213, %add3A_400 : i32
        %dma_wait3A_402 = arith.constant 0 : i32
        %dma_wait3A_403 = arith.constant 0 : i32
        %dma_wait3A_404 = tpu.memref_slice %arg8[%add3A_401, %dma_wait3A_402, %dma_wait3A_403] : memref<15x80x32xf32, #tpu.memory_space<vmem>> -> memref<1x80x32xf32, #tpu.memory_space<vmem>>
        %dma_wait3A_405 = tpu.memref_squeeze %dma_wait3A_404 : memref<1x80x32xf32, #tpu.memory_space<vmem>> -> memref<80x32xf32, #tpu.memory_space<vmem>>
        %dma_wait3A_406 = arith.constant 0 : i32
        %dma_wait3A_407 = tpu.memref_slice %arg7[%add3A_399, %dma_wait3A_406] : memref<125x80xi32, #tpu.memory_space<vmem>> -> memref<1x80xi32, #tpu.memory_space<vmem>>
        %dma_wait3A_408 = tpu.memref_squeeze %dma_wait3A_407 : memref<1x80xi32, #tpu.memory_space<vmem>> -> memref<80xi32, #tpu.memory_space<vmem>>
        %dma_wait3A_409 = arith.constant 0 : i32
        %dma_wait3A_410 = arith.constant 0 : i32
        %dma_wait3A_411 = tpu.memref_slice %arg9[%dma_wait3A_409, %dma_wait3A_410] : memref<10240x32xf32, #tpu.memory_space<vmem_shared>> -> memref<10240x32xf32, #tpu.memory_space<vmem_shared>>
        tpu.wait_indirect_dma semaphore(%arg11 : memref<!tpu.dma_semaphore, #tpu.memory_space<semaphore_mem>>) src(%dma_wait3A_405 : memref<80x32xf32, #tpu.memory_space<vmem>>) dst(%dma_wait3A_411 : memref<10240x32xf32, #tpu.memory_space<vmem_shared>>)
        %sub3A_412 = arith.constant 10 : i32
        %sub3A_413 = arith.subi %mul3A_215, %sub3A_412 : i32
        %add3A_414 = arith.constant 3 : i32
        %add3A_415 = arith.addi %sub3A_413, %add3A_414 : i32
        %add3A_416 = arith.constant 3 : i32
        %add3A_417 = arith.addi %mul3A_213, %add3A_416 : i32
        %dma_wait3A_418 = arith.constant 0 : i32
        %dma_wait3A_419 = arith.constant 0 : i32
        %dma_wait3A_420 = tpu.memref_slice %arg8[%add3A_417, %dma_wait3A_418, %dma_wait3A_419] : memref<15x80x32xf32, #tpu.memory_space<vmem>> -> memref<1x80x32xf32, #tpu.memory_space<vmem>>
        %dma_wait3A_421 = tpu.memref_squeeze %dma_wait3A_420 : memref<1x80x32xf32, #tpu.memory_space<vmem>> -> memref<80x32xf32, #tpu.memory_space<vmem>>
        %dma_wait3A_422 = arith.constant 0 : i32
        %dma_wait3A_423 = tpu.memref_slice %arg7[%add3A_415, %dma_wait3A_422] : memref<125x80xi32, #tpu.memory_space<vmem>> -> memref<1x80xi32, #tpu.memory_space<vmem>>
        %dma_wait3A_424 = tpu.memref_squeeze %dma_wait3A_423 : memref<1x80xi32, #tpu.memory_space<vmem>> -> memref<80xi32, #tpu.memory_space<vmem>>
        %dma_wait3A_425 = arith.constant 0 : i32
        %dma_wait3A_426 = arith.constant 0 : i32
        %dma_wait3A_427 = tpu.memref_slice %arg9[%dma_wait3A_425, %dma_wait3A_426] : memref<10240x32xf32, #tpu.memory_space<vmem_shared>> -> memref<10240x32xf32, #tpu.memory_space<vmem_shared>>
        tpu.wait_indirect_dma semaphore(%arg11 : memref<!tpu.dma_semaphore, #tpu.memory_space<semaphore_mem>>) src(%dma_wait3A_421 : memref<80x32xf32, #tpu.memory_space<vmem>>) dst(%dma_wait3A_427 : memref<10240x32xf32, #tpu.memory_space<vmem_shared>>)
        %sub3A_428 = arith.constant 10 : i32
        %sub3A_429 = arith.subi %mul3A_215, %sub3A_428 : i32
        %add3A_430 = arith.constant 4 : i32
        %add3A_431 = arith.addi %sub3A_429, %add3A_430 : i32
        %add3A_432 = arith.constant 4 : i32
        %add3A_433 = arith.addi %mul3A_213, %add3A_432 : i32
        %dma_wait3A_434 = arith.constant 0 : i32
        %dma_wait3A_435 = arith.constant 0 : i32
        %dma_wait3A_436 = tpu.memref_slice %arg8[%add3A_433, %dma_wait3A_434, %dma_wait3A_435] : memref<15x80x32xf32, #tpu.memory_space<vmem>> -> memref<1x80x32xf32, #tpu.memory_space<vmem>>
        %dma_wait3A_437 = tpu.memref_squeeze %dma_wait3A_436 : memref<1x80x32xf32, #tpu.memory_space<vmem>> -> memref<80x32xf32, #tpu.memory_space<vmem>>
        %dma_wait3A_438 = arith.constant 0 : i32
        %dma_wait3A_439 = tpu.memref_slice %arg7[%add3A_431, %dma_wait3A_438] : memref<125x80xi32, #tpu.memory_space<vmem>> -> memref<1x80xi32, #tpu.memory_space<vmem>>
        %dma_wait3A_440 = tpu.memref_squeeze %dma_wait3A_439 : memref<1x80xi32, #tpu.memory_space<vmem>> -> memref<80xi32, #tpu.memory_space<vmem>>
        %dma_wait3A_441 = arith.constant 0 : i32
        %dma_wait3A_442 = arith.constant 0 : i32
        %dma_wait3A_443 = tpu.memref_slice %arg9[%dma_wait3A_441, %dma_wait3A_442] : memref<10240x32xf32, #tpu.memory_space<vmem_shared>> -> memref<10240x32xf32, #tpu.memory_space<vmem_shared>>
        tpu.wait_indirect_dma semaphore(%arg11 : memref<!tpu.dma_semaphore, #tpu.memory_space<semaphore_mem>>) src(%dma_wait3A_437 : memref<80x32xf32, #tpu.memory_space<vmem>>) dst(%dma_wait3A_443 : memref<10240x32xf32, #tpu.memory_space<vmem_shared>>)
      } else {
      }
      %lt3A_220 = arith.constant 24 : i32
      %lt3A_221 = arith.cmpi slt, %scan3A_204, %lt3A_220 : i32
      %convert_element_type3A_222 = arith.extui %lt3A_221 : i1 to i32
      %cond3A_223 = arith.constant 0 : i32
      %cond3A_224 = arith.cmpi ne, %convert_element_type3A_222, %cond3A_223 : i32
      scf.if %cond3A_224 {
        %add3A_365 = arith.constant 5 : i32
        %add3A_366 = arith.addi %mul3A_215, %add3A_365 : i32
        %add3A_367 = arith.constant 0 : i32
        %add3A_368 = arith.addi %add3A_366, %add3A_367 : i32
        %add3A_369 = arith.constant 0 : i32
        %add3A_370 = arith.addi %mul3A_213, %add3A_369 : i32
        %dma_start3A_371 = arith.constant 0 : i32
        %dma_start3A_372 = arith.constant 0 : i32
        %dma_start3A_373 = tpu.memref_slice %arg8[%add3A_370, %dma_start3A_371, %dma_start3A_372] : memref<15x80x32xf32, #tpu.memory_space<vmem>> -> memref<1x80x32xf32, #tpu.memory_space<vmem>>
        %dma_start3A_374 = tpu.memref_squeeze %dma_start3A_373 : memref<1x80x32xf32, #tpu.memory_space<vmem>> -> memref<80x32xf32, #tpu.memory_space<vmem>>
        %dma_start3A_375 = arith.constant 0 : i32
        %dma_start3A_376 = tpu.memref_slice %arg6[%add3A_368, %dma_start3A_375] : memref<125x80xi32, #tpu.memory_space<vmem>> -> memref<1x80xi32, #tpu.memory_space<vmem>>
        %dma_start3A_377 = tpu.memref_squeeze %dma_start3A_376 : memref<1x80xi32, #tpu.memory_space<vmem>> -> memref<80xi32, #tpu.memory_space<vmem>>
        %dma_start3A_378 = arith.constant 0 : i32
        %dma_start3A_379 = arith.constant 0 : i32
        %dma_start3A_380 = tpu.memref_slice %arg2[%dma_start3A_378, %dma_start3A_379] : memref<10000x32xf32, #tpu.memory_space<hbm>> -> memref<10000x32xf32, #tpu.memory_space<hbm>>
        tpu.enqueue_indirect_dma source(%dma_start3A_380 : memref<10000x32xf32, #tpu.memory_space<hbm>>) target(%dma_start3A_374 : memref<80x32xf32, #tpu.memory_space<vmem>>) offsets(%dma_start3A_377 : memref<80xi32, #tpu.memory_space<vmem>>) semaphore(%arg10 : memref<!tpu.dma_semaphore, #tpu.memory_space<semaphore_mem>>)
        %add3A_381 = arith.constant 5 : i32
        %add3A_382 = arith.addi %mul3A_215, %add3A_381 : i32
        %add3A_383 = arith.constant 1 : i32
        %add3A_384 = arith.addi %add3A_382, %add3A_383 : i32
        %add3A_385 = arith.constant 1 : i32
        %add3A_386 = arith.addi %mul3A_213, %add3A_385 : i32
        %dma_start3A_387 = arith.constant 0 : i32
        %dma_start3A_388 = arith.constant 0 : i32
        %dma_start3A_389 = tpu.memref_slice %arg8[%add3A_386, %dma_start3A_387, %dma_start3A_388] : memref<15x80x32xf32, #tpu.memory_space<vmem>> -> memref<1x80x32xf32, #tpu.memory_space<vmem>>
        %dma_start3A_390 = tpu.memref_squeeze %dma_start3A_389 : memref<1x80x32xf32, #tpu.memory_space<vmem>> -> memref<80x32xf32, #tpu.memory_space<vmem>>
        %dma_start3A_391 = arith.constant 0 : i32
        %dma_start3A_392 = tpu.memref_slice %arg6[%add3A_384, %dma_start3A_391] : memref<125x80xi32, #tpu.memory_space<vmem>> -> memref<1x80xi32, #tpu.memory_space<vmem>>
        %dma_start3A_393 = tpu.memref_squeeze %dma_start3A_392 : memref<1x80xi32, #tpu.memory_space<vmem>> -> memref<80xi32, #tpu.memory_space<vmem>>
        %dma_start3A_394 = arith.constant 0 : i32
        %dma_start3A_395 = arith.constant 0 : i32
        %dma_start3A_396 = tpu.memref_slice %arg2[%dma_start3A_394, %dma_start3A_395] : memref<10000x32xf32, #tpu.memory_space<hbm>> -> memref<10000x32xf32, #tpu.memory_space<hbm>>
        tpu.enqueue_indirect_dma source(%dma_start3A_396 : memref<10000x32xf32, #tpu.memory_space<hbm>>) target(%dma_start3A_390 : memref<80x32xf32, #tpu.memory_space<vmem>>) offsets(%dma_start3A_393 : memref<80xi32, #tpu.memory_space<vmem>>) semaphore(%arg10 : memref<!tpu.dma_semaphore, #tpu.memory_space<semaphore_mem>>)
        %add3A_397 = arith.constant 5 : i32
        %add3A_398 = arith.addi %mul3A_215, %add3A_397 : i32
        %add3A_399 = arith.constant 2 : i32
        %add3A_400 = arith.addi %add3A_398, %add3A_399 : i32
        %add3A_401 = arith.constant 2 : i32
        %add3A_402 = arith.addi %mul3A_213, %add3A_401 : i32
        %dma_start3A_403 = arith.constant 0 : i32
        %dma_start3A_404 = arith.constant 0 : i32
        %dma_start3A_405 = tpu.memref_slice %arg8[%add3A_402, %dma_start3A_403, %dma_start3A_404] : memref<15x80x32xf32, #tpu.memory_space<vmem>> -> memref<1x80x32xf32, #tpu.memory_space<vmem>>
        %dma_start3A_406 = tpu.memref_squeeze %dma_start3A_405 : memref<1x80x32xf32, #tpu.memory_space<vmem>> -> memref<80x32xf32, #tpu.memory_space<vmem>>
        %dma_start3A_407 = arith.constant 0 : i32
        %dma_start3A_408 = tpu.memref_slice %arg6[%add3A_400, %dma_start3A_407] : memref<125x80xi32, #tpu.memory_space<vmem>> -> memref<1x80xi32, #tpu.memory_space<vmem>>
        %dma_start3A_409 = tpu.memref_squeeze %dma_start3A_408 : memref<1x80xi32, #tpu.memory_space<vmem>> -> memref<80xi32, #tpu.memory_space<vmem>>
        %dma_start3A_410 = arith.constant 0 : i32
        %dma_start3A_411 = arith.constant 0 : i32
        %dma_start3A_412 = tpu.memref_slice %arg2[%dma_start3A_410, %dma_start3A_411] : memref<10000x32xf32, #tpu.memory_space<hbm>> -> memref<10000x32xf32, #tpu.memory_space<hbm>>
        tpu.enqueue_indirect_dma source(%dma_start3A_412 : memref<10000x32xf32, #tpu.memory_space<hbm>>) target(%dma_start3A_406 : memref<80x32xf32, #tpu.memory_space<vmem>>) offsets(%dma_start3A_409 : memref<80xi32, #tpu.memory_space<vmem>>) semaphore(%arg10 : memref<!tpu.dma_semaphore, #tpu.memory_space<semaphore_mem>>)
        %add3A_413 = arith.constant 5 : i32
        %add3A_414 = arith.addi %mul3A_215, %add3A_413 : i32
        %add3A_415 = arith.constant 3 : i32
        %add3A_416 = arith.addi %add3A_414, %add3A_415 : i32
        %add3A_417 = arith.constant 3 : i32
        %add3A_418 = arith.addi %mul3A_213, %add3A_417 : i32
        %dma_start3A_419 = arith.constant 0 : i32
        %dma_start3A_420 = arith.constant 0 : i32
        %dma_start3A_421 = tpu.memref_slice %arg8[%add3A_418, %dma_start3A_419, %dma_start3A_420] : memref<15x80x32xf32, #tpu.memory_space<vmem>> -> memref<1x80x32xf32, #tpu.memory_space<vmem>>
        %dma_start3A_422 = tpu.memref_squeeze %dma_start3A_421 : memref<1x80x32xf32, #tpu.memory_space<vmem>> -> memref<80x32xf32, #tpu.memory_space<vmem>>
        %dma_start3A_423 = arith.constant 0 : i32
        %dma_start3A_424 = tpu.memref_slice %arg6[%add3A_416, %dma_start3A_423] : memref<125x80xi32, #tpu.memory_space<vmem>> -> memref<1x80xi32, #tpu.memory_space<vmem>>
        %dma_start3A_425 = tpu.memref_squeeze %dma_start3A_424 : memref<1x80xi32, #tpu.memory_space<vmem>> -> memref<80xi32, #tpu.memory_space<vmem>>
        %dma_start3A_426 = arith.constant 0 : i32
        %dma_start3A_427 = arith.constant 0 : i32
        %dma_start3A_428 = tpu.memref_slice %arg2[%dma_start3A_426, %dma_start3A_427] : memref<10000x32xf32, #tpu.memory_space<hbm>> -> memref<10000x32xf32, #tpu.memory_space<hbm>>
        tpu.enqueue_indirect_dma source(%dma_start3A_428 : memref<10000x32xf32, #tpu.memory_space<hbm>>) target(%dma_start3A_422 : memref<80x32xf32, #tpu.memory_space<vmem>>) offsets(%dma_start3A_425 : memref<80xi32, #tpu.memory_space<vmem>>) semaphore(%arg10 : memref<!tpu.dma_semaphore, #tpu.memory_space<semaphore_mem>>)
        %add3A_429 = arith.constant 5 : i32
        %add3A_430 = arith.addi %mul3A_215, %add3A_429 : i32
        %add3A_431 = arith.constant 4 : i32
        %add3A_432 = arith.addi %add3A_430, %add3A_431 : i32
        %add3A_433 = arith.constant 4 : i32
        %add3A_434 = arith.addi %mul3A_213, %add3A_433 : i32
        %dma_start3A_435 = arith.constant 0 : i32
        %dma_start3A_436 = arith.constant 0 : i32
        %dma_start3A_437 = tpu.memref_slice %arg8[%add3A_434, %dma_start3A_435, %dma_start3A_436] : memref<15x80x32xf32, #tpu.memory_space<vmem>> -> memref<1x80x32xf32, #tpu.memory_space<vmem>>
        %dma_start3A_438 = tpu.memref_squeeze %dma_start3A_437 : memref<1x80x32xf32, #tpu.memory_space<vmem>> -> memref<80x32xf32, #tpu.memory_space<vmem>>
        %dma_start3A_439 = arith.constant 0 : i32
        %dma_start3A_440 = tpu.memref_slice %arg6[%add3A_432, %dma_start3A_439] : memref<125x80xi32, #tpu.memory_space<vmem>> -> memref<1x80xi32, #tpu.memory_space<vmem>>
        %dma_start3A_441 = tpu.memref_squeeze %dma_start3A_440 : memref<1x80xi32, #tpu.memory_space<vmem>> -> memref<80xi32, #tpu.memory_space<vmem>>
        %dma_start3A_442 = arith.constant 0 : i32
        %dma_start3A_443 = arith.constant 0 : i32
        %dma_start3A_444 = tpu.memref_slice %arg2[%dma_start3A_442, %dma_start3A_443] : memref<10000x32xf32, #tpu.memory_space<hbm>> -> memref<10000x32xf32, #tpu.memory_space<hbm>>
        tpu.enqueue_indirect_dma source(%dma_start3A_444 : memref<10000x32xf32, #tpu.memory_space<hbm>>) target(%dma_start3A_438 : memref<80x32xf32, #tpu.memory_space<vmem>>) offsets(%dma_start3A_441 : memref<80xi32, #tpu.memory_space<vmem>>) semaphore(%arg10 : memref<!tpu.dma_semaphore, #tpu.memory_space<semaphore_mem>>)
      } else {
      }
      %add3A_225 = arith.constant 0 : i32
      %add3A_226 = arith.addi %mul3A_215, %add3A_225 : i32
      %add3A_227 = arith.constant 0 : i32
      %add3A_228 = arith.addi %mul3A_211, %add3A_227 : i32
      %dma_wait3A_229 = arith.constant 0 : i32
      %dma_wait3A_230 = arith.constant 0 : i32
      %dma_wait3A_231 = tpu.memref_slice %arg8[%add3A_228, %dma_wait3A_229, %dma_wait3A_230] : memref<15x80x32xf32, #tpu.memory_space<vmem>> -> memref<1x80x32xf32, #tpu.memory_space<vmem>>
      %dma_wait3A_232 = tpu.memref_squeeze %dma_wait3A_231 : memref<1x80x32xf32, #tpu.memory_space<vmem>> -> memref<80x32xf32, #tpu.memory_space<vmem>>
      %dma_wait3A_233 = arith.constant 0 : i32
      %dma_wait3A_234 = tpu.memref_slice %arg6[%add3A_226, %dma_wait3A_233] : memref<125x80xi32, #tpu.memory_space<vmem>> -> memref<1x80xi32, #tpu.memory_space<vmem>>
      %dma_wait3A_235 = tpu.memref_squeeze %dma_wait3A_234 : memref<1x80xi32, #tpu.memory_space<vmem>> -> memref<80xi32, #tpu.memory_space<vmem>>
      %dma_wait3A_236 = arith.constant 0 : i32
      %dma_wait3A_237 = arith.constant 0 : i32
      %dma_wait3A_238 = tpu.memref_slice %arg2[%dma_wait3A_236, %dma_wait3A_237] : memref<10000x32xf32, #tpu.memory_space<hbm>> -> memref<10000x32xf32, #tpu.memory_space<hbm>>
      tpu.wait_indirect_dma semaphore(%arg10 : memref<!tpu.dma_semaphore, #tpu.memory_space<semaphore_mem>>) src(%dma_wait3A_238 : memref<10000x32xf32, #tpu.memory_space<hbm>>) dst(%dma_wait3A_232 : memref<80x32xf32, #tpu.memory_space<vmem>>)
      %add3A_239 = arith.constant 1 : i32
      %add3A_240 = arith.addi %mul3A_215, %add3A_239 : i32
      %add3A_241 = arith.constant 1 : i32
      %add3A_242 = arith.addi %mul3A_211, %add3A_241 : i32
      %dma_wait3A_243 = arith.constant 0 : i32
      %dma_wait3A_244 = arith.constant 0 : i32
      %dma_wait3A_245 = tpu.memref_slice %arg8[%add3A_242, %dma_wait3A_243, %dma_wait3A_244] : memref<15x80x32xf32, #tpu.memory_space<vmem>> -> memref<1x80x32xf32, #tpu.memory_space<vmem>>
      %dma_wait3A_246 = tpu.memref_squeeze %dma_wait3A_245 : memref<1x80x32xf32, #tpu.memory_space<vmem>> -> memref<80x32xf32, #tpu.memory_space<vmem>>
      %dma_wait3A_247 = arith.constant 0 : i32
      %dma_wait3A_248 = tpu.memref_slice %arg6[%add3A_240, %dma_wait3A_247] : memref<125x80xi32, #tpu.memory_space<vmem>> -> memref<1x80xi32, #tpu.memory_space<vmem>>
      %dma_wait3A_249 = tpu.memref_squeeze %dma_wait3A_248 : memref<1x80xi32, #tpu.memory_space<vmem>> -> memref<80xi32, #tpu.memory_space<vmem>>
      %dma_wait3A_250 = arith.constant 0 : i32
      %dma_wait3A_251 = arith.constant 0 : i32
      %dma_wait3A_252 = tpu.memref_slice %arg2[%dma_wait3A_250, %dma_wait3A_251] : memref<10000x32xf32, #tpu.memory_space<hbm>> -> memref<10000x32xf32, #tpu.memory_space<hbm>>
      tpu.wait_indirect_dma semaphore(%arg10 : memref<!tpu.dma_semaphore, #tpu.memory_space<semaphore_mem>>) src(%dma_wait3A_252 : memref<10000x32xf32, #tpu.memory_space<hbm>>) dst(%dma_wait3A_246 : memref<80x32xf32, #tpu.memory_space<vmem>>)
      %add3A_253 = arith.constant 2 : i32
      %add3A_254 = arith.addi %mul3A_215, %add3A_253 : i32
      %add3A_255 = arith.constant 2 : i32
      %add3A_256 = arith.addi %mul3A_211, %add3A_255 : i32
      %dma_wait3A_257 = arith.constant 0 : i32
      %dma_wait3A_258 = arith.constant 0 : i32
      %dma_wait3A_259 = tpu.memref_slice %arg8[%add3A_256, %dma_wait3A_257, %dma_wait3A_258] : memref<15x80x32xf32, #tpu.memory_space<vmem>> -> memref<1x80x32xf32, #tpu.memory_space<vmem>>
      %dma_wait3A_260 = tpu.memref_squeeze %dma_wait3A_259 : memref<1x80x32xf32, #tpu.memory_space<vmem>> -> memref<80x32xf32, #tpu.memory_space<vmem>>
      %dma_wait3A_261 = arith.constant 0 : i32
      %dma_wait3A_262 = tpu.memref_slice %arg6[%add3A_254, %dma_wait3A_261] : memref<125x80xi32, #tpu.memory_space<vmem>> -> memref<1x80xi32, #tpu.memory_space<vmem>>
      %dma_wait3A_263 = tpu.memref_squeeze %dma_wait3A_262 : memref<1x80xi32, #tpu.memory_space<vmem>> -> memref<80xi32, #tpu.memory_space<vmem>>
      %dma_wait3A_264 = arith.constant 0 : i32
      %dma_wait3A_265 = arith.constant 0 : i32
      %dma_wait3A_266 = tpu.memref_slice %arg2[%dma_wait3A_264, %dma_wait3A_265] : memref<10000x32xf32, #tpu.memory_space<hbm>> -> memref<10000x32xf32, #tpu.memory_space<hbm>>
      tpu.wait_indirect_dma semaphore(%arg10 : memref<!tpu.dma_semaphore, #tpu.memory_space<semaphore_mem>>) src(%dma_wait3A_266 : memref<10000x32xf32, #tpu.memory_space<hbm>>) dst(%dma_wait3A_260 : memref<80x32xf32, #tpu.memory_space<vmem>>)
      %add3A_267 = arith.constant 3 : i32
      %add3A_268 = arith.addi %mul3A_215, %add3A_267 : i32
      %add3A_269 = arith.constant 3 : i32
      %add3A_270 = arith.addi %mul3A_211, %add3A_269 : i32
      %dma_wait3A_271 = arith.constant 0 : i32
      %dma_wait3A_272 = arith.constant 0 : i32
      %dma_wait3A_273 = tpu.memref_slice %arg8[%add3A_270, %dma_wait3A_271, %dma_wait3A_272] : memref<15x80x32xf32, #tpu.memory_space<vmem>> -> memref<1x80x32xf32, #tpu.memory_space<vmem>>
      %dma_wait3A_274 = tpu.memref_squeeze %dma_wait3A_273 : memref<1x80x32xf32, #tpu.memory_space<vmem>> -> memref<80x32xf32, #tpu.memory_space<vmem>>
      %dma_wait3A_275 = arith.constant 0 : i32
      %dma_wait3A_276 = tpu.memref_slice %arg6[%add3A_268, %dma_wait3A_275] : memref<125x80xi32, #tpu.memory_space<vmem>> -> memref<1x80xi32, #tpu.memory_space<vmem>>
      %dma_wait3A_277 = tpu.memref_squeeze %dma_wait3A_276 : memref<1x80xi32, #tpu.memory_space<vmem>> -> memref<80xi32, #tpu.memory_space<vmem>>
      %dma_wait3A_278 = arith.constant 0 : i32
      %dma_wait3A_279 = arith.constant 0 : i32
      %dma_wait3A_280 = tpu.memref_slice %arg2[%dma_wait3A_278, %dma_wait3A_279] : memref<10000x32xf32, #tpu.memory_space<hbm>> -> memref<10000x32xf32, #tpu.memory_space<hbm>>
      tpu.wait_indirect_dma semaphore(%arg10 : memref<!tpu.dma_semaphore, #tpu.memory_space<semaphore_mem>>) src(%dma_wait3A_280 : memref<10000x32xf32, #tpu.memory_space<hbm>>) dst(%dma_wait3A_274 : memref<80x32xf32, #tpu.memory_space<vmem>>)
      %add3A_281 = arith.constant 4 : i32
      %add3A_282 = arith.addi %mul3A_215, %add3A_281 : i32
      %add3A_283 = arith.constant 4 : i32
      %add3A_284 = arith.addi %mul3A_211, %add3A_283 : i32
      %dma_wait3A_285 = arith.constant 0 : i32
      %dma_wait3A_286 = arith.constant 0 : i32
      %dma_wait3A_287 = tpu.memref_slice %arg8[%add3A_284, %dma_wait3A_285, %dma_wait3A_286] : memref<15x80x32xf32, #tpu.memory_space<vmem>> -> memref<1x80x32xf32, #tpu.memory_space<vmem>>
      %dma_wait3A_288 = tpu.memref_squeeze %dma_wait3A_287 : memref<1x80x32xf32, #tpu.memory_space<vmem>> -> memref<80x32xf32, #tpu.memory_space<vmem>>
      %dma_wait3A_289 = arith.constant 0 : i32
      %dma_wait3A_290 = tpu.memref_slice %arg6[%add3A_282, %dma_wait3A_289] : memref<125x80xi32, #tpu.memory_space<vmem>> -> memref<1x80xi32, #tpu.memory_space<vmem>>
      %dma_wait3A_291 = tpu.memref_squeeze %dma_wait3A_290 : memref<1x80xi32, #tpu.memory_space<vmem>> -> memref<80xi32, #tpu.memory_space<vmem>>
      %dma_wait3A_292 = arith.constant 0 : i32
      %dma_wait3A_293 = arith.constant 0 : i32
      %dma_wait3A_294 = tpu.memref_slice %arg2[%dma_wait3A_292, %dma_wait3A_293] : memref<10000x32xf32, #tpu.memory_space<hbm>> -> memref<10000x32xf32, #tpu.memory_space<hbm>>
      tpu.wait_indirect_dma semaphore(%arg10 : memref<!tpu.dma_semaphore, #tpu.memory_space<semaphore_mem>>) src(%dma_wait3A_294 : memref<10000x32xf32, #tpu.memory_space<hbm>>) dst(%dma_wait3A_288 : memref<80x32xf32, #tpu.memory_space<vmem>>)
      %add3A_295 = arith.constant 0 : i32
      %add3A_296 = arith.addi %mul3A_215, %add3A_295 : i32
      %add3A_297 = arith.constant 0 : i32
      %add3A_298 = arith.addi %mul3A_211, %add3A_297 : i32
      %dma_start3A_299 = arith.constant 0 : i32
      %dma_start3A_300 = arith.constant 0 : i32
      %dma_start3A_301 = tpu.memref_slice %arg8[%add3A_298, %dma_start3A_299, %dma_start3A_300] : memref<15x80x32xf32, #tpu.memory_space<vmem>> -> memref<1x80x32xf32, #tpu.memory_space<vmem>>
      %dma_start3A_302 = tpu.memref_squeeze %dma_start3A_301 : memref<1x80x32xf32, #tpu.memory_space<vmem>> -> memref<80x32xf32, #tpu.memory_space<vmem>>
      %dma_start3A_303 = arith.constant 0 : i32
      %dma_start3A_304 = tpu.memref_slice %arg7[%add3A_296, %dma_start3A_303] : memref<125x80xi32, #tpu.memory_space<vmem>> -> memref<1x80xi32, #tpu.memory_space<vmem>>
      %dma_start3A_305 = tpu.memref_squeeze %dma_start3A_304 : memref<1x80xi32, #tpu.memory_space<vmem>> -> memref<80xi32, #tpu.memory_space<vmem>>
      %dma_start3A_306 = arith.constant 0 : i32
      %dma_start3A_307 = arith.constant 0 : i32
      %dma_start3A_308 = tpu.memref_slice %arg9[%dma_start3A_306, %dma_start3A_307] : memref<10240x32xf32, #tpu.memory_space<vmem_shared>> -> memref<10240x32xf32, #tpu.memory_space<vmem_shared>>
      tpu.enqueue_indirect_dma source(%dma_start3A_302 : memref<80x32xf32, #tpu.memory_space<vmem>>) target(%dma_start3A_308 : memref<10240x32xf32, #tpu.memory_space<vmem_shared>>) offsets(%dma_start3A_305 : memref<80xi32, #tpu.memory_space<vmem>>) semaphore(%arg11 : memref<!tpu.dma_semaphore, #tpu.memory_space<semaphore_mem>>) {add = true}
      %add3A_309 = arith.constant 1 : i32
      %add3A_310 = arith.addi %mul3A_215, %add3A_309 : i32
      %add3A_311 = arith.constant 1 : i32
      %add3A_312 = arith.addi %mul3A_211, %add3A_311 : i32
      %dma_start3A_313 = arith.constant 0 : i32
      %dma_start3A_314 = arith.constant 0 : i32
      %dma_start3A_315 = tpu.memref_slice %arg8[%add3A_312, %dma_start3A_313, %dma_start3A_314] : memref<15x80x32xf32, #tpu.memory_space<vmem>> -> memref<1x80x32xf32, #tpu.memory_space<vmem>>
      %dma_start3A_316 = tpu.memref_squeeze %dma_start3A_315 : memref<1x80x32xf32, #tpu.memory_space<vmem>> -> memref<80x32xf32, #tpu.memory_space<vmem>>
      %dma_start3A_317 = arith.constant 0 : i32
      %dma_start3A_318 = tpu.memref_slice %arg7[%add3A_310, %dma_start3A_317] : memref<125x80xi32, #tpu.memory_space<vmem>> -> memref<1x80xi32, #tpu.memory_space<vmem>>
      %dma_start3A_319 = tpu.memref_squeeze %dma_start3A_318 : memref<1x80xi32, #tpu.memory_space<vmem>> -> memref<80xi32, #tpu.memory_space<vmem>>
      %dma_start3A_320 = arith.constant 0 : i32
      %dma_start3A_321 = arith.constant 0 : i32
      %dma_start3A_322 = tpu.memref_slice %arg9[%dma_start3A_320, %dma_start3A_321] : memref<10240x32xf32, #tpu.memory_space<vmem_shared>> -> memref<10240x32xf32, #tpu.memory_space<vmem_shared>>
      tpu.enqueue_indirect_dma source(%dma_start3A_316 : memref<80x32xf32, #tpu.memory_space<vmem>>) target(%dma_start3A_322 : memref<10240x32xf32, #tpu.memory_space<vmem_shared>>) offsets(%dma_start3A_319 : memref<80xi32, #tpu.memory_space<vmem>>) semaphore(%arg11 : memref<!tpu.dma_semaphore, #tpu.memory_space<semaphore_mem>>) {add = true}
      %add3A_323 = arith.constant 2 : i32
      %add3A_324 = arith.addi %mul3A_215, %add3A_323 : i32
      %add3A_325 = arith.constant 2 : i32
      %add3A_326 = arith.addi %mul3A_211, %add3A_325 : i32
      %dma_start3A_327 = arith.constant 0 : i32
      %dma_start3A_328 = arith.constant 0 : i32
      %dma_start3A_329 = tpu.memref_slice %arg8[%add3A_326, %dma_start3A_327, %dma_start3A_328] : memref<15x80x32xf32, #tpu.memory_space<vmem>> -> memref<1x80x32xf32, #tpu.memory_space<vmem>>
      %dma_start3A_330 = tpu.memref_squeeze %dma_start3A_329 : memref<1x80x32xf32, #tpu.memory_space<vmem>> -> memref<80x32xf32, #tpu.memory_space<vmem>>
      %dma_start3A_331 = arith.constant 0 : i32
      %dma_start3A_332 = tpu.memref_slice %arg7[%add3A_324, %dma_start3A_331] : memref<125x80xi32, #tpu.memory_space<vmem>> -> memref<1x80xi32, #tpu.memory_space<vmem>>
      %dma_start3A_333 = tpu.memref_squeeze %dma_start3A_332 : memref<1x80xi32, #tpu.memory_space<vmem>> -> memref<80xi32, #tpu.memory_space<vmem>>
      %dma_start3A_334 = arith.constant 0 : i32
      %dma_start3A_335 = arith.constant 0 : i32
      %dma_start3A_336 = tpu.memref_slice %arg9[%dma_start3A_334, %dma_start3A_335] : memref<10240x32xf32, #tpu.memory_space<vmem_shared>> -> memref<10240x32xf32, #tpu.memory_space<vmem_shared>>
      tpu.enqueue_indirect_dma source(%dma_start3A_330 : memref<80x32xf32, #tpu.memory_space<vmem>>) target(%dma_start3A_336 : memref<10240x32xf32, #tpu.memory_space<vmem_shared>>) offsets(%dma_start3A_333 : memref<80xi32, #tpu.memory_space<vmem>>) semaphore(%arg11 : memref<!tpu.dma_semaphore, #tpu.memory_space<semaphore_mem>>) {add = true}
      %add3A_337 = arith.constant 3 : i32
      %add3A_338 = arith.addi %mul3A_215, %add3A_337 : i32
      %add3A_339 = arith.constant 3 : i32
      %add3A_340 = arith.addi %mul3A_211, %add3A_339 : i32
      %dma_start3A_341 = arith.constant 0 : i32
      %dma_start3A_342 = arith.constant 0 : i32
      %dma_start3A_343 = tpu.memref_slice %arg8[%add3A_340, %dma_start3A_341, %dma_start3A_342] : memref<15x80x32xf32, #tpu.memory_space<vmem>> -> memref<1x80x32xf32, #tpu.memory_space<vmem>>
      %dma_start3A_344 = tpu.memref_squeeze %dma_start3A_343 : memref<1x80x32xf32, #tpu.memory_space<vmem>> -> memref<80x32xf32, #tpu.memory_space<vmem>>
      %dma_start3A_345 = arith.constant 0 : i32
      %dma_start3A_346 = tpu.memref_slice %arg7[%add3A_338, %dma_start3A_345] : memref<125x80xi32, #tpu.memory_space<vmem>> -> memref<1x80xi32, #tpu.memory_space<vmem>>
      %dma_start3A_347 = tpu.memref_squeeze %dma_start3A_346 : memref<1x80xi32, #tpu.memory_space<vmem>> -> memref<80xi32, #tpu.memory_space<vmem>>
      %dma_start3A_348 = arith.constant 0 : i32
      %dma_start3A_349 = arith.constant 0 : i32
      %dma_start3A_350 = tpu.memref_slice %arg9[%dma_start3A_348, %dma_start3A_349] : memref<10240x32xf32, #tpu.memory_space<vmem_shared>> -> memref<10240x32xf32, #tpu.memory_space<vmem_shared>>
      tpu.enqueue_indirect_dma source(%dma_start3A_344 : memref<80x32xf32, #tpu.memory_space<vmem>>) target(%dma_start3A_350 : memref<10240x32xf32, #tpu.memory_space<vmem_shared>>) offsets(%dma_start3A_347 : memref<80xi32, #tpu.memory_space<vmem>>) semaphore(%arg11 : memref<!tpu.dma_semaphore, #tpu.memory_space<semaphore_mem>>) {add = true}
      %add3A_351 = arith.constant 4 : i32
      %add3A_352 = arith.addi %mul3A_215, %add3A_351 : i32
      %add3A_353 = arith.constant 4 : i32
      %add3A_354 = arith.addi %mul3A_211, %add3A_353 : i32
      %dma_start3A_355 = arith.constant 0 : i32
      %dma_start3A_356 = arith.constant 0 : i32
      %dma_start3A_357 = tpu.memref_slice %arg8[%add3A_354, %dma_start3A_355, %dma_start3A_356] : memref<15x80x32xf32, #tpu.memory_space<vmem>> -> memref<1x80x32xf32, #tpu.memory_space<vmem>>
      %dma_start3A_358 = tpu.memref_squeeze %dma_start3A_357 : memref<1x80x32xf32, #tpu.memory_space<vmem>> -> memref<80x32xf32, #tpu.memory_space<vmem>>
      %dma_start3A_359 = arith.constant 0 : i32
      %dma_start3A_360 = tpu.memref_slice %arg7[%add3A_352, %dma_start3A_359] : memref<125x80xi32, #tpu.memory_space<vmem>> -> memref<1x80xi32, #tpu.memory_space<vmem>>
      %dma_start3A_361 = tpu.memref_squeeze %dma_start3A_360 : memref<1x80xi32, #tpu.memory_space<vmem>> -> memref<80xi32, #tpu.memory_space<vmem>>
      %dma_start3A_362 = arith.constant 0 : i32
      %dma_start3A_363 = arith.constant 0 : i32
      %dma_start3A_364 = tpu.memref_slice %arg9[%dma_start3A_362, %dma_start3A_363] : memref<10240x32xf32, #tpu.memory_space<vmem_shared>> -> memref<10240x32xf32, #tpu.memory_space<vmem_shared>>
      tpu.enqueue_indirect_dma source(%dma_start3A_358 : memref<80x32xf32, #tpu.memory_space<vmem>>) target(%dma_start3A_364 : memref<10240x32xf32, #tpu.memory_space<vmem_shared>>) offsets(%dma_start3A_361 : memref<80xi32, #tpu.memory_space<vmem>>) semaphore(%arg11 : memref<!tpu.dma_semaphore, #tpu.memory_space<semaphore_mem>>) {add = true}
    }
    %scan3A_83 = arith.constant 25 : i32
    %dma_wait3A = arith.constant 10 : i32
    %dma_wait3A_84 = arith.constant 115 : i32
    %dma_wait3A_85 = arith.constant 0 : i32
    %dma_wait3A_86 = arith.constant 0 : i32
    %dma_wait3A_87 = tpu.memref_slice %arg8[%dma_wait3A, %dma_wait3A_85, %dma_wait3A_86] : memref<15x80x32xf32, #tpu.memory_space<vmem>> -> memref<1x80x32xf32, #tpu.memory_space<vmem>>
    %dma_wait3A_88 = tpu.memref_squeeze %dma_wait3A_87 : memref<1x80x32xf32, #tpu.memory_space<vmem>> -> memref<80x32xf32, #tpu.memory_space<vmem>>
    %dma_wait3A_89 = arith.constant 0 : i32
    %dma_wait3A_90 = tpu.memref_slice %arg7[%dma_wait3A_84, %dma_wait3A_89] : memref<125x80xi32, #tpu.memory_space<vmem>> -> memref<1x80xi32, #tpu.memory_space<vmem>>
    %dma_wait3A_91 = tpu.memref_squeeze %dma_wait3A_90 : memref<1x80xi32, #tpu.memory_space<vmem>> -> memref<80xi32, #tpu.memory_space<vmem>>
    %dma_wait3A_92 = arith.constant 0 : i32
    %dma_wait3A_93 = arith.constant 0 : i32
    %dma_wait3A_94 = tpu.memref_slice %arg9[%dma_wait3A_92, %dma_wait3A_93] : memref<10240x32xf32, #tpu.memory_space<vmem_shared>> -> memref<10240x32xf32, #tpu.memory_space<vmem_shared>>
    tpu.wait_indirect_dma semaphore(%arg11 : memref<!tpu.dma_semaphore, #tpu.memory_space<semaphore_mem>>) src(%dma_wait3A_88 : memref<80x32xf32, #tpu.memory_space<vmem>>) dst(%dma_wait3A_94 : memref<10240x32xf32, #tpu.memory_space<vmem_shared>>)
    %dma_wait3A_95 = arith.constant 11 : i32
    %dma_wait3A_96 = arith.constant 116 : i32
    %dma_wait3A_97 = arith.constant 0 : i32
    %dma_wait3A_98 = arith.constant 0 : i32
    %dma_wait3A_99 = tpu.memref_slice %arg8[%dma_wait3A_95, %dma_wait3A_97, %dma_wait3A_98] : memref<15x80x32xf32, #tpu.memory_space<vmem>> -> memref<1x80x32xf32, #tpu.memory_space<vmem>>
    %dma_wait3A_100 = tpu.memref_squeeze %dma_wait3A_99 : memref<1x80x32xf32, #tpu.memory_space<vmem>> -> memref<80x32xf32, #tpu.memory_space<vmem>>
    %dma_wait3A_101 = arith.constant 0 : i32
    %dma_wait3A_102 = tpu.memref_slice %arg7[%dma_wait3A_96, %dma_wait3A_101] : memref<125x80xi32, #tpu.memory_space<vmem>> -> memref<1x80xi32, #tpu.memory_space<vmem>>
    %dma_wait3A_103 = tpu.memref_squeeze %dma_wait3A_102 : memref<1x80xi32, #tpu.memory_space<vmem>> -> memref<80xi32, #tpu.memory_space<vmem>>
    %dma_wait3A_104 = arith.constant 0 : i32
    %dma_wait3A_105 = arith.constant 0 : i32
    %dma_wait3A_106 = tpu.memref_slice %arg9[%dma_wait3A_104, %dma_wait3A_105] : memref<10240x32xf32, #tpu.memory_space<vmem_shared>> -> memref<10240x32xf32, #tpu.memory_space<vmem_shared>>
    tpu.wait_indirect_dma semaphore(%arg11 : memref<!tpu.dma_semaphore, #tpu.memory_space<semaphore_mem>>) src(%dma_wait3A_100 : memref<80x32xf32, #tpu.memory_space<vmem>>) dst(%dma_wait3A_106 : memref<10240x32xf32, #tpu.memory_space<vmem_shared>>)
    %dma_wait3A_107 = arith.constant 12 : i32
    %dma_wait3A_108 = arith.constant 117 : i32
    %dma_wait3A_109 = arith.constant 0 : i32
    %dma_wait3A_110 = arith.constant 0 : i32
    %dma_wait3A_111 = tpu.memref_slice %arg8[%dma_wait3A_107, %dma_wait3A_109, %dma_wait3A_110] : memref<15x80x32xf32, #tpu.memory_space<vmem>> -> memref<1x80x32xf32, #tpu.memory_space<vmem>>
    %dma_wait3A_112 = tpu.memref_squeeze %dma_wait3A_111 : memref<1x80x32xf32, #tpu.memory_space<vmem>> -> memref<80x32xf32, #tpu.memory_space<vmem>>
    %dma_wait3A_113 = arith.constant 0 : i32
    %dma_wait3A_114 = tpu.memref_slice %arg7[%dma_wait3A_108, %dma_wait3A_113] : memref<125x80xi32, #tpu.memory_space<vmem>> -> memref<1x80xi32, #tpu.memory_space<vmem>>
    %dma_wait3A_115 = tpu.memref_squeeze %dma_wait3A_114 : memref<1x80xi32, #tpu.memory_space<vmem>> -> memref<80xi32, #tpu.memory_space<vmem>>
    %dma_wait3A_116 = arith.constant 0 : i32
    %dma_wait3A_117 = arith.constant 0 : i32
    %dma_wait3A_118 = tpu.memref_slice %arg9[%dma_wait3A_116, %dma_wait3A_117] : memref<10240x32xf32, #tpu.memory_space<vmem_shared>> -> memref<10240x32xf32, #tpu.memory_space<vmem_shared>>
    tpu.wait_indirect_dma semaphore(%arg11 : memref<!tpu.dma_semaphore, #tpu.memory_space<semaphore_mem>>) src(%dma_wait3A_112 : memref<80x32xf32, #tpu.memory_space<vmem>>) dst(%dma_wait3A_118 : memref<10240x32xf32, #tpu.memory_space<vmem_shared>>)
    %dma_wait3A_119 = arith.constant 13 : i32
    %dma_wait3A_120 = arith.constant 118 : i32
    %dma_wait3A_121 = arith.constant 0 : i32
    %dma_wait3A_122 = arith.constant 0 : i32
    %dma_wait3A_123 = tpu.memref_slice %arg8[%dma_wait3A_119, %dma_wait3A_121, %dma_wait3A_122] : memref<15x80x32xf32, #tpu.memory_space<vmem>> -> memref<1x80x32xf32, #tpu.memory_space<vmem>>
    %dma_wait3A_124 = tpu.memref_squeeze %dma_wait3A_123 : memref<1x80x32xf32, #tpu.memory_space<vmem>> -> memref<80x32xf32, #tpu.memory_space<vmem>>
    %dma_wait3A_125 = arith.constant 0 : i32
    %dma_wait3A_126 = tpu.memref_slice %arg7[%dma_wait3A_120, %dma_wait3A_125] : memref<125x80xi32, #tpu.memory_space<vmem>> -> memref<1x80xi32, #tpu.memory_space<vmem>>
    %dma_wait3A_127 = tpu.memref_squeeze %dma_wait3A_126 : memref<1x80xi32, #tpu.memory_space<vmem>> -> memref<80xi32, #tpu.memory_space<vmem>>
    %dma_wait3A_128 = arith.constant 0 : i32
    %dma_wait3A_129 = arith.constant 0 : i32
    %dma_wait3A_130 = tpu.memref_slice %arg9[%dma_wait3A_128, %dma_wait3A_129] : memref<10240x32xf32, #tpu.memory_space<vmem_shared>> -> memref<10240x32xf32, #tpu.memory_space<vmem_shared>>
    tpu.wait_indirect_dma semaphore(%arg11 : memref<!tpu.dma_semaphore, #tpu.memory_space<semaphore_mem>>) src(%dma_wait3A_124 : memref<80x32xf32, #tpu.memory_space<vmem>>) dst(%dma_wait3A_130 : memref<10240x32xf32, #tpu.memory_space<vmem_shared>>)
    %dma_wait3A_131 = arith.constant 14 : i32
    %dma_wait3A_132 = arith.constant 119 : i32
    %dma_wait3A_133 = arith.constant 0 : i32
    %dma_wait3A_134 = arith.constant 0 : i32
    %dma_wait3A_135 = tpu.memref_slice %arg8[%dma_wait3A_131, %dma_wait3A_133, %dma_wait3A_134] : memref<15x80x32xf32, #tpu.memory_space<vmem>> -> memref<1x80x32xf32, #tpu.memory_space<vmem>>
    %dma_wait3A_136 = tpu.memref_squeeze %dma_wait3A_135 : memref<1x80x32xf32, #tpu.memory_space<vmem>> -> memref<80x32xf32, #tpu.memory_space<vmem>>
    %dma_wait3A_137 = arith.constant 0 : i32
    %dma_wait3A_138 = tpu.memref_slice %arg7[%dma_wait3A_132, %dma_wait3A_137] : memref<125x80xi32, #tpu.memory_space<vmem>> -> memref<1x80xi32, #tpu.memory_space<vmem>>
    %dma_wait3A_139 = tpu.memref_squeeze %dma_wait3A_138 : memref<1x80xi32, #tpu.memory_space<vmem>> -> memref<80xi32, #tpu.memory_space<vmem>>
    %dma_wait3A_140 = arith.constant 0 : i32
    %dma_wait3A_141 = arith.constant 0 : i32
    %dma_wait3A_142 = tpu.memref_slice %arg9[%dma_wait3A_140, %dma_wait3A_141] : memref<10240x32xf32, #tpu.memory_space<vmem_shared>> -> memref<10240x32xf32, #tpu.memory_space<vmem_shared>>
    tpu.wait_indirect_dma semaphore(%arg11 : memref<!tpu.dma_semaphore, #tpu.memory_space<semaphore_mem>>) src(%dma_wait3A_136 : memref<80x32xf32, #tpu.memory_space<vmem>>) dst(%dma_wait3A_142 : memref<10240x32xf32, #tpu.memory_space<vmem_shared>>)
    %dma_wait3A_143 = arith.constant 0 : i32
    %dma_wait3A_144 = arith.constant 120 : i32
    %dma_wait3A_145 = arith.constant 0 : i32
    %dma_wait3A_146 = arith.constant 0 : i32
    %dma_wait3A_147 = tpu.memref_slice %arg8[%dma_wait3A_143, %dma_wait3A_145, %dma_wait3A_146] : memref<15x80x32xf32, #tpu.memory_space<vmem>> -> memref<1x80x32xf32, #tpu.memory_space<vmem>>
    %dma_wait3A_148 = tpu.memref_squeeze %dma_wait3A_147 : memref<1x80x32xf32, #tpu.memory_space<vmem>> -> memref<80x32xf32, #tpu.memory_space<vmem>>
    %dma_wait3A_149 = arith.constant 0 : i32
    %dma_wait3A_150 = tpu.memref_slice %arg7[%dma_wait3A_144, %dma_wait3A_149] : memref<125x80xi32, #tpu.memory_space<vmem>> -> memref<1x80xi32, #tpu.memory_space<vmem>>
    %dma_wait3A_151 = tpu.memref_squeeze %dma_wait3A_150 : memref<1x80xi32, #tpu.memory_space<vmem>> -> memref<80xi32, #tpu.memory_space<vmem>>
    %dma_wait3A_152 = arith.constant 0 : i32
    %dma_wait3A_153 = arith.constant 0 : i32
    %dma_wait3A_154 = tpu.memref_slice %arg9[%dma_wait3A_152, %dma_wait3A_153] : memref<10240x32xf32, #tpu.memory_space<vmem_shared>> -> memref<10240x32xf32, #tpu.memory_space<vmem_shared>>
    tpu.wait_indirect_dma semaphore(%arg11 : memref<!tpu.dma_semaphore, #tpu.memory_space<semaphore_mem>>) src(%dma_wait3A_148 : memref<80x32xf32, #tpu.memory_space<vmem>>) dst(%dma_wait3A_154 : memref<10240x32xf32, #tpu.memory_space<vmem_shared>>)
    %dma_wait3A_155 = arith.constant 1 : i32
    %dma_wait3A_156 = arith.constant 121 : i32
    %dma_wait3A_157 = arith.constant 0 : i32
    %dma_wait3A_158 = arith.constant 0 : i32
    %dma_wait3A_159 = tpu.memref_slice %arg8[%dma_wait3A_155, %dma_wait3A_157, %dma_wait3A_158] : memref<15x80x32xf32, #tpu.memory_space<vmem>> -> memref<1x80x32xf32, #tpu.memory_space<vmem>>
    %dma_wait3A_160 = tpu.memref_squeeze %dma_wait3A_159 : memref<1x80x32xf32, #tpu.memory_space<vmem>> -> memref<80x32xf32, #tpu.memory_space<vmem>>
    %dma_wait3A_161 = arith.constant 0 : i32
    %dma_wait3A_162 = tpu.memref_slice %arg7[%dma_wait3A_156, %dma_wait3A_161] : memref<125x80xi32, #tpu.memory_space<vmem>> -> memref<1x80xi32, #tpu.memory_space<vmem>>
    %dma_wait3A_163 = tpu.memref_squeeze %dma_wait3A_162 : memref<1x80xi32, #tpu.memory_space<vmem>> -> memref<80xi32, #tpu.memory_space<vmem>>
    %dma_wait3A_164 = arith.constant 0 : i32
    %dma_wait3A_165 = arith.constant 0 : i32
    %dma_wait3A_166 = tpu.memref_slice %arg9[%dma_wait3A_164, %dma_wait3A_165] : memref<10240x32xf32, #tpu.memory_space<vmem_shared>> -> memref<10240x32xf32, #tpu.memory_space<vmem_shared>>
    tpu.wait_indirect_dma semaphore(%arg11 : memref<!tpu.dma_semaphore, #tpu.memory_space<semaphore_mem>>) src(%dma_wait3A_160 : memref<80x32xf32, #tpu.memory_space<vmem>>) dst(%dma_wait3A_166 : memref<10240x32xf32, #tpu.memory_space<vmem_shared>>)
    %dma_wait3A_167 = arith.constant 2 : i32
    %dma_wait3A_168 = arith.constant 122 : i32
    %dma_wait3A_169 = arith.constant 0 : i32
    %dma_wait3A_170 = arith.constant 0 : i32
    %dma_wait3A_171 = tpu.memref_slice %arg8[%dma_wait3A_167, %dma_wait3A_169, %dma_wait3A_170] : memref<15x80x32xf32, #tpu.memory_space<vmem>> -> memref<1x80x32xf32, #tpu.memory_space<vmem>>
    %dma_wait3A_172 = tpu.memref_squeeze %dma_wait3A_171 : memref<1x80x32xf32, #tpu.memory_space<vmem>> -> memref<80x32xf32, #tpu.memory_space<vmem>>
    %dma_wait3A_173 = arith.constant 0 : i32
    %dma_wait3A_174 = tpu.memref_slice %arg7[%dma_wait3A_168, %dma_wait3A_173] : memref<125x80xi32, #tpu.memory_space<vmem>> -> memref<1x80xi32, #tpu.memory_space<vmem>>
    %dma_wait3A_175 = tpu.memref_squeeze %dma_wait3A_174 : memref<1x80xi32, #tpu.memory_space<vmem>> -> memref<80xi32, #tpu.memory_space<vmem>>
    %dma_wait3A_176 = arith.constant 0 : i32
    %dma_wait3A_177 = arith.constant 0 : i32
    %dma_wait3A_178 = tpu.memref_slice %arg9[%dma_wait3A_176, %dma_wait3A_177] : memref<10240x32xf32, #tpu.memory_space<vmem_shared>> -> memref<10240x32xf32, #tpu.memory_space<vmem_shared>>
    tpu.wait_indirect_dma semaphore(%arg11 : memref<!tpu.dma_semaphore, #tpu.memory_space<semaphore_mem>>) src(%dma_wait3A_172 : memref<80x32xf32, #tpu.memory_space<vmem>>) dst(%dma_wait3A_178 : memref<10240x32xf32, #tpu.memory_space<vmem_shared>>)
    %dma_wait3A_179 = arith.constant 3 : i32
    %dma_wait3A_180 = arith.constant 123 : i32
    %dma_wait3A_181 = arith.constant 0 : i32
    %dma_wait3A_182 = arith.constant 0 : i32
    %dma_wait3A_183 = tpu.memref_slice %arg8[%dma_wait3A_179, %dma_wait3A_181, %dma_wait3A_182] : memref<15x80x32xf32, #tpu.memory_space<vmem>> -> memref<1x80x32xf32, #tpu.memory_space<vmem>>
    %dma_wait3A_184 = tpu.memref_squeeze %dma_wait3A_183 : memref<1x80x32xf32, #tpu.memory_space<vmem>> -> memref<80x32xf32, #tpu.memory_space<vmem>>
    %dma_wait3A_185 = arith.constant 0 : i32
    %dma_wait3A_186 = tpu.memref_slice %arg7[%dma_wait3A_180, %dma_wait3A_185] : memref<125x80xi32, #tpu.memory_space<vmem>> -> memref<1x80xi32, #tpu.memory_space<vmem>>
    %dma_wait3A_187 = tpu.memref_squeeze %dma_wait3A_186 : memref<1x80xi32, #tpu.memory_space<vmem>> -> memref<80xi32, #tpu.memory_space<vmem>>
    %dma_wait3A_188 = arith.constant 0 : i32
    %dma_wait3A_189 = arith.constant 0 : i32
    %dma_wait3A_190 = tpu.memref_slice %arg9[%dma_wait3A_188, %dma_wait3A_189] : memref<10240x32xf32, #tpu.memory_space<vmem_shared>> -> memref<10240x32xf32, #tpu.memory_space<vmem_shared>>
    tpu.wait_indirect_dma semaphore(%arg11 : memref<!tpu.dma_semaphore, #tpu.memory_space<semaphore_mem>>) src(%dma_wait3A_184 : memref<80x32xf32, #tpu.memory_space<vmem>>) dst(%dma_wait3A_190 : memref<10240x32xf32, #tpu.memory_space<vmem_shared>>)
    %dma_wait3A_191 = arith.constant 4 : i32
    %dma_wait3A_192 = arith.constant 124 : i32
    %dma_wait3A_193 = arith.constant 0 : i32
    %dma_wait3A_194 = arith.constant 0 : i32
    %dma_wait3A_195 = tpu.memref_slice %arg8[%dma_wait3A_191, %dma_wait3A_193, %dma_wait3A_194] : memref<15x80x32xf32, #tpu.memory_space<vmem>> -> memref<1x80x32xf32, #tpu.memory_space<vmem>>
    %dma_wait3A_196 = tpu.memref_squeeze %dma_wait3A_195 : memref<1x80x32xf32, #tpu.memory_space<vmem>> -> memref<80x32xf32, #tpu.memory_space<vmem>>
    %dma_wait3A_197 = arith.constant 0 : i32
    %dma_wait3A_198 = tpu.memref_slice %arg7[%dma_wait3A_192, %dma_wait3A_197] : memref<125x80xi32, #tpu.memory_space<vmem>> -> memref<1x80xi32, #tpu.memory_space<vmem>>
    %dma_wait3A_199 = tpu.memref_squeeze %dma_wait3A_198 : memref<1x80xi32, #tpu.memory_space<vmem>> -> memref<80xi32, #tpu.memory_space<vmem>>
    %dma_wait3A_200 = arith.constant 0 : i32
    %dma_wait3A_201 = arith.constant 0 : i32
    %dma_wait3A_202 = tpu.memref_slice %arg9[%dma_wait3A_200, %dma_wait3A_201] : memref<10240x32xf32, #tpu.memory_space<vmem_shared>> -> memref<10240x32xf32, #tpu.memory_space<vmem_shared>>
    tpu.wait_indirect_dma semaphore(%arg11 : memref<!tpu.dma_semaphore, #tpu.memory_space<semaphore_mem>>) src(%dma_wait3A_196 : memref<80x32xf32, #tpu.memory_space<vmem>>) dst(%dma_wait3A_202 : memref<10240x32xf32, #tpu.memory_space<vmem_shared>>)
    %barrier3A_203 = arith.constant 0 : index
    tpu.barrier barrier_id(%barrier3A_203)
    "tpu.region"() ({
      %run_scoped3A_204 = tpu.sem_alloc : memref<!tpu.dma_semaphore, #tpu.memory_space<semaphore_mem>>
      %dma_start3A_205 = arith.constant 0 : i32
      %dma_start3A_206 = tpu.memref_slice %arg5[%arg0, %multiple_of3A, %dma_start3A_205] : memref<2x10240x32xf32, #tpu.memory_space<hbm>> -> memref<1x640x32xf32, #tpu.memory_space<hbm>>
      %dma_start3A_207 = tpu.memref_squeeze %dma_start3A_206 : memref<1x640x32xf32, #tpu.memory_space<hbm>> -> memref<640x32xf32, #tpu.memory_space<hbm>>
      %dma_start3A_208 = arith.constant 0 : i32
      %dma_start3A_209 = tpu.memref_slice %arg9[%multiple_of3A, %dma_start3A_208] : memref<10240x32xf32, #tpu.memory_space<vmem_shared>> -> memref<640x32xf32, #tpu.memory_space<vmem_shared>>
      tpu.enqueue_dma source(%dma_start3A_209 : memref<640x32xf32, #tpu.memory_space<vmem_shared>>) target(%dma_start3A_207 : memref<640x32xf32, #tpu.memory_space<hbm>>) target_semaphore(%run_scoped3A_204 : memref<!tpu.dma_semaphore, #tpu.memory_space<semaphore_mem>>)
      %dma_wait3A_210 = arith.constant 0 : i32
      %dma_wait3A_211 = tpu.memref_slice %arg5[%arg0, %multiple_of3A, %dma_wait3A_210] : memref<2x10240x32xf32, #tpu.memory_space<hbm>> -> memref<1x640x32xf32, #tpu.memory_space<hbm>>
      %dma_wait3A_212 = tpu.memref_squeeze %dma_wait3A_211 : memref<1x640x32xf32, #tpu.memory_space<hbm>> -> memref<640x32xf32, #tpu.memory_space<hbm>>
      %dma_wait3A_213 = arith.constant 0 : i32
      %dma_wait3A_214 = tpu.memref_slice %arg9[%multiple_of3A, %dma_wait3A_213] : memref<10240x32xf32, #tpu.memory_space<vmem_shared>> -> memref<640x32xf32, #tpu.memory_space<vmem_shared>>
      tpu.wait_dma2 semaphore(%run_scoped3A_204 : memref<!tpu.dma_semaphore, #tpu.memory_space<semaphore_mem>>) src(%dma_wait3A_214 : memref<640x32xf32, #tpu.memory_space<vmem_shared>>) dst(%dma_wait3A_212 : memref<640x32xf32, #tpu.memory_space<hbm>>)
      tpu.yield
    }) : () -> ()
    return
  }
}

#map = affine_map<(d0, d1) -> (0)>
#map1 = affine_map<(d0, d1) -> (0, 0, 0, 0)>
#map2 = affine_map<(d0, d1) -> (0, 0)>
module attributes {stable_mosaic.version = 14 : i64} {
  func.func @_agg1_kernel(%arg0: i32, %arg1: i32, %arg2: memref<10240xf32, #tpu.memory_space<hbm>>, %arg3: memref<2x32x125x80xi32, #tpu.memory_space<hbm>>, %arg4: memref<640xf32, #tpu.memory_space<hbm>>, %arg5: memref<2x10240xf32, #tpu.memory_space<hbm>>, %arg6: memref<125x80xi32, #tpu.memory_space<vmem>>, %arg7: memref<125x80xi32, #tpu.memory_space<vmem>>, %arg8: memref<10240xf32, #tpu.memory_space<vmem>>, %arg9: memref<10000xf32, #tpu.memory_space<vmem>>, %arg10: memref<10240xf32, #tpu.memory_space<vmem_shared>>, %arg11: memref<!tpu.dma_semaphore, #tpu.memory_space<semaphore_mem>>) attributes {dimension_semantics = [#tpu.dimension_semantics<core_parallel>, #tpu.dimension_semantics<subcore_parallel>], iteration_bounds = array<i64: 2, 16>, scalar_prefetch = 0 : i64, scratch_operands = 6 : i64, tpu.core_type = #tpu.core_type<sc_vector_subcore>, window_params = [{transform_indices = #map}, {transform_indices = #map1}, {transform_indices = #map}, {transform_indices = #map2}]} {
    %mul3A = arith.constant 16 : i32
    %mul3A_0 = arith.muli %arg0, %mul3A : i32
    %add3A = arith.addi %mul3A_0, %arg1 : i32
    %mul3A_1 = arith.constant 640 : i32
    %mul3A_2 = arith.muli %arg1, %mul3A_1 : i32
    %multiple_of3A = tpu.assume_multiple %mul3A_2, 8 : i32
    "tpu.region"() ({
      %run_scoped3A_16 = tpu.sem_alloc : memref<!tpu.dma_semaphore, #tpu.memory_space<semaphore_mem>>
      %dma_start3A = tpu.memref_slice %arg10[%multiple_of3A] : memref<10240xf32, #tpu.memory_space<vmem_shared>> -> memref<640xf32, #tpu.memory_space<vmem_shared>>
      tpu.enqueue_dma source(%arg4 : memref<640xf32, #tpu.memory_space<hbm>>) target(%dma_start3A : memref<640xf32, #tpu.memory_space<vmem_shared>>) target_semaphore(%run_scoped3A_16 : memref<!tpu.dma_semaphore, #tpu.memory_space<semaphore_mem>>)
      %dma_wait3A = tpu.memref_slice %arg10[%multiple_of3A] : memref<10240xf32, #tpu.memory_space<vmem_shared>> -> memref<640xf32, #tpu.memory_space<vmem_shared>>
      tpu.wait_dma2 semaphore(%run_scoped3A_16 : memref<!tpu.dma_semaphore, #tpu.memory_space<semaphore_mem>>) src(%arg4 : memref<640xf32, #tpu.memory_space<hbm>>) dst(%dma_wait3A : memref<640xf32, #tpu.memory_space<vmem_shared>>)
      tpu.yield
    }) : () -> ()
    "tpu.region"() ({
      %run_scoped3A_16 = tpu.sem_alloc : memref<!tpu.dma_semaphore, #tpu.memory_space<semaphore_mem>>
      tpu.enqueue_dma source(%arg2 : memref<10240xf32, #tpu.memory_space<hbm>>) target(%arg8 : memref<10240xf32, #tpu.memory_space<vmem>>) target_semaphore(%run_scoped3A_16 : memref<!tpu.dma_semaphore, #tpu.memory_space<semaphore_mem>>)
      tpu.wait_dma2 semaphore(%run_scoped3A_16 : memref<!tpu.dma_semaphore, #tpu.memory_space<semaphore_mem>>) src(%arg2 : memref<10240xf32, #tpu.memory_space<hbm>>) dst(%arg8 : memref<10240xf32, #tpu.memory_space<vmem>>)
      tpu.yield
    }) : () -> ()
    %run_scoped3A = arith.constant 0 : i32
    "tpu.region"() ({
      %run_scoped3A_16 = tpu.sem_alloc : memref<!tpu.dma_semaphore, #tpu.memory_space<semaphore_mem>>
      %dma_start3A = arith.constant 0 : i32
      %dma_start3A_17 = arith.constant 0 : i32
      %dma_start3A_18 = tpu.memref_slice %arg3[%run_scoped3A, %add3A, %dma_start3A, %dma_start3A_17] : memref<2x32x125x80xi32, #tpu.memory_space<hbm>> -> memref<1x1x125x80xi32, #tpu.memory_space<hbm>>
      %dma_start3A_19 = tpu.memref_squeeze %dma_start3A_18 : memref<1x1x125x80xi32, #tpu.memory_space<hbm>> -> memref<125x80xi32, #tpu.memory_space<hbm>>
      %dma_start3A_20 = arith.constant 0 : i32
      %dma_start3A_21 = arith.constant 0 : i32
      %dma_start3A_22 = tpu.memref_slice %arg3[%run_scoped3A, %add3A, %dma_start3A_20, %dma_start3A_21] : memref<2x32x125x80xi32, #tpu.memory_space<hbm>> -> memref<1x1x125x80xi32, #tpu.memory_space<hbm>>
      %dma_start3A_23 = tpu.memref_squeeze %dma_start3A_22 : memref<1x1x125x80xi32, #tpu.memory_space<hbm>> -> memref<125x80xi32, #tpu.memory_space<hbm>>
      tpu.enqueue_dma source(%dma_start3A_23 : memref<125x80xi32, #tpu.memory_space<hbm>>) target(%arg6 : memref<125x80xi32, #tpu.memory_space<vmem>>) target_semaphore(%run_scoped3A_16 : memref<!tpu.dma_semaphore, #tpu.memory_space<semaphore_mem>>)
      %dma_wait3A = arith.constant 0 : i32
      %dma_wait3A_24 = arith.constant 0 : i32
      %dma_wait3A_25 = tpu.memref_slice %arg3[%run_scoped3A, %add3A, %dma_wait3A, %dma_wait3A_24] : memref<2x32x125x80xi32, #tpu.memory_space<hbm>> -> memref<1x1x125x80xi32, #tpu.memory_space<hbm>>
      %dma_wait3A_26 = tpu.memref_squeeze %dma_wait3A_25 : memref<1x1x125x80xi32, #tpu.memory_space<hbm>> -> memref<125x80xi32, #tpu.memory_space<hbm>>
      %dma_wait3A_27 = arith.constant 0 : i32
      %dma_wait3A_28 = arith.constant 0 : i32
      %dma_wait3A_29 = tpu.memref_slice %arg3[%run_scoped3A, %add3A, %dma_wait3A_27, %dma_wait3A_28] : memref<2x32x125x80xi32, #tpu.memory_space<hbm>> -> memref<1x1x125x80xi32, #tpu.memory_space<hbm>>
      %dma_wait3A_30 = tpu.memref_squeeze %dma_wait3A_29 : memref<1x1x125x80xi32, #tpu.memory_space<hbm>> -> memref<125x80xi32, #tpu.memory_space<hbm>>
      tpu.wait_dma2 semaphore(%run_scoped3A_16 : memref<!tpu.dma_semaphore, #tpu.memory_space<semaphore_mem>>) src(%dma_wait3A_30 : memref<125x80xi32, #tpu.memory_space<hbm>>) dst(%arg6 : memref<125x80xi32, #tpu.memory_space<vmem>>)
      tpu.yield
    }) : () -> ()
    %run_scoped3A_3 = arith.constant 1 : i32
    "tpu.region"() ({
      %run_scoped3A_16 = tpu.sem_alloc : memref<!tpu.dma_semaphore, #tpu.memory_space<semaphore_mem>>
      %dma_start3A = arith.constant 0 : i32
      %dma_start3A_17 = arith.constant 0 : i32
      %dma_start3A_18 = tpu.memref_slice %arg3[%run_scoped3A_3, %add3A, %dma_start3A, %dma_start3A_17] : memref<2x32x125x80xi32, #tpu.memory_space<hbm>> -> memref<1x1x125x80xi32, #tpu.memory_space<hbm>>
      %dma_start3A_19 = tpu.memref_squeeze %dma_start3A_18 : memref<1x1x125x80xi32, #tpu.memory_space<hbm>> -> memref<125x80xi32, #tpu.memory_space<hbm>>
      %dma_start3A_20 = arith.constant 0 : i32
      %dma_start3A_21 = arith.constant 0 : i32
      %dma_start3A_22 = tpu.memref_slice %arg3[%run_scoped3A_3, %add3A, %dma_start3A_20, %dma_start3A_21] : memref<2x32x125x80xi32, #tpu.memory_space<hbm>> -> memref<1x1x125x80xi32, #tpu.memory_space<hbm>>
      %dma_start3A_23 = tpu.memref_squeeze %dma_start3A_22 : memref<1x1x125x80xi32, #tpu.memory_space<hbm>> -> memref<125x80xi32, #tpu.memory_space<hbm>>
      tpu.enqueue_dma source(%dma_start3A_23 : memref<125x80xi32, #tpu.memory_space<hbm>>) target(%arg7 : memref<125x80xi32, #tpu.memory_space<vmem>>) target_semaphore(%run_scoped3A_16 : memref<!tpu.dma_semaphore, #tpu.memory_space<semaphore_mem>>)
      %dma_wait3A = arith.constant 0 : i32
      %dma_wait3A_24 = arith.constant 0 : i32
      %dma_wait3A_25 = tpu.memref_slice %arg3[%run_scoped3A_3, %add3A, %dma_wait3A, %dma_wait3A_24] : memref<2x32x125x80xi32, #tpu.memory_space<hbm>> -> memref<1x1x125x80xi32, #tpu.memory_space<hbm>>
      %dma_wait3A_26 = tpu.memref_squeeze %dma_wait3A_25 : memref<1x1x125x80xi32, #tpu.memory_space<hbm>> -> memref<125x80xi32, #tpu.memory_space<hbm>>
      %dma_wait3A_27 = arith.constant 0 : i32
      %dma_wait3A_28 = arith.constant 0 : i32
      %dma_wait3A_29 = tpu.memref_slice %arg3[%run_scoped3A_3, %add3A, %dma_wait3A_27, %dma_wait3A_28] : memref<2x32x125x80xi32, #tpu.memory_space<hbm>> -> memref<1x1x125x80xi32, #tpu.memory_space<hbm>>
      %dma_wait3A_30 = tpu.memref_squeeze %dma_wait3A_29 : memref<1x1x125x80xi32, #tpu.memory_space<hbm>> -> memref<125x80xi32, #tpu.memory_space<hbm>>
      tpu.wait_dma2 semaphore(%run_scoped3A_16 : memref<!tpu.dma_semaphore, #tpu.memory_space<semaphore_mem>>) src(%dma_wait3A_30 : memref<125x80xi32, #tpu.memory_space<hbm>>) dst(%arg7 : memref<125x80xi32, #tpu.memory_space<vmem>>)
      tpu.yield
    }) : () -> ()
    %barrier3A = arith.constant 0 : index
    tpu.barrier barrier_id(%barrier3A)
    %scan3A = arith.constant 0 : i32
    %scan3A_4 = arith.constant 0 : i32
    %scan3A_5 = arith.constant 125 : i32
    %scan3A_6 = arith.addi %scan3A_4, %scan3A_5 : i32
    %scan3A_7 = arith.constant 1 : i32
    scf.for %scan3A_16 = %scan3A_4 to %scan3A_6 step %scan3A_7  : i32 {
      %get3A = arith.index_cast %scan3A_16 : i32 to index
      %get3A_17 = arith.constant 0 : index
      %get3A_18 = tpu.vector_load %arg6[%get3A, %get3A_17] {strides = array<i32>} : memref<125x80xi32, #tpu.memory_space<vmem>>, vector<16xi32>,
      %gather3A = tpu.vector_load_idx %arg8[%get3A_18] : memref<10240xf32, #tpu.memory_space<vmem>>[vector<16xi32>], vector<16xf32>,
      %mul3A_19 = arith.constant 80 : i32
      %mul3A_20 = arith.muli %scan3A_16, %mul3A_19 : i32
      %add3A_21 = arith.constant 0 : i32
      %add3A_22 = arith.addi %mul3A_20, %add3A_21 : i32
      %swap3A = arith.index_cast %add3A_22 : i32 to index
      %swap3A_23 = tpu.vector_load %arg9[%swap3A] {strides = array<i32>} : memref<10000xf32, #tpu.memory_space<vmem>>, vector<16xf32>,
      tpu.vector_store %arg9[%swap3A], %gather3A {strides = array<i32>} : memref<10000xf32, #tpu.memory_space<vmem>>, vector<16xf32>,
      %get3A_24 = arith.index_cast %scan3A_16 : i32 to index
      %get3A_25 = arith.constant 16 : index
      %get3A_26 = tpu.vector_load %arg6[%get3A_24, %get3A_25] {strides = array<i32>} : memref<125x80xi32, #tpu.memory_space<vmem>>, vector<16xi32>,
      %gather3A_27 = tpu.vector_load_idx %arg8[%get3A_26] : memref<10240xf32, #tpu.memory_space<vmem>>[vector<16xi32>], vector<16xf32>,
      %mul3A_28 = arith.constant 80 : i32
      %mul3A_29 = arith.muli %scan3A_16, %mul3A_28 : i32
      %add3A_30 = arith.constant 16 : i32
      %add3A_31 = arith.addi %mul3A_29, %add3A_30 : i32
      %swap3A_32 = arith.index_cast %add3A_31 : i32 to index
      %swap3A_33 = tpu.vector_load %arg9[%swap3A_32] {strides = array<i32>} : memref<10000xf32, #tpu.memory_space<vmem>>, vector<16xf32>,
      tpu.vector_store %arg9[%swap3A_32], %gather3A_27 {strides = array<i32>} : memref<10000xf32, #tpu.memory_space<vmem>>, vector<16xf32>,
      %get3A_34 = arith.index_cast %scan3A_16 : i32 to index
      %get3A_35 = arith.constant 32 : index
      %get3A_36 = tpu.vector_load %arg6[%get3A_34, %get3A_35] {strides = array<i32>} : memref<125x80xi32, #tpu.memory_space<vmem>>, vector<16xi32>,
      %gather3A_37 = tpu.vector_load_idx %arg8[%get3A_36] : memref<10240xf32, #tpu.memory_space<vmem>>[vector<16xi32>], vector<16xf32>,
      %mul3A_38 = arith.constant 80 : i32
      %mul3A_39 = arith.muli %scan3A_16, %mul3A_38 : i32
      %add3A_40 = arith.constant 32 : i32
      %add3A_41 = arith.addi %mul3A_39, %add3A_40 : i32
      %swap3A_42 = arith.index_cast %add3A_41 : i32 to index
      %swap3A_43 = tpu.vector_load %arg9[%swap3A_42] {strides = array<i32>} : memref<10000xf32, #tpu.memory_space<vmem>>, vector<16xf32>,
      tpu.vector_store %arg9[%swap3A_42], %gather3A_37 {strides = array<i32>} : memref<10000xf32, #tpu.memory_space<vmem>>, vector<16xf32>,
      %get3A_44 = arith.index_cast %scan3A_16 : i32 to index
      %get3A_45 = arith.constant 48 : index
      %get3A_46 = tpu.vector_load %arg6[%get3A_44, %get3A_45] {strides = array<i32>} : memref<125x80xi32, #tpu.memory_space<vmem>>, vector<16xi32>,
      %gather3A_47 = tpu.vector_load_idx %arg8[%get3A_46] : memref<10240xf32, #tpu.memory_space<vmem>>[vector<16xi32>], vector<16xf32>,
      %mul3A_48 = arith.constant 80 : i32
      %mul3A_49 = arith.muli %scan3A_16, %mul3A_48 : i32
      %add3A_50 = arith.constant 48 : i32
      %add3A_51 = arith.addi %mul3A_49, %add3A_50 : i32
      %swap3A_52 = arith.index_cast %add3A_51 : i32 to index
      %swap3A_53 = tpu.vector_load %arg9[%swap3A_52] {strides = array<i32>} : memref<10000xf32, #tpu.memory_space<vmem>>, vector<16xf32>,
      tpu.vector_store %arg9[%swap3A_52], %gather3A_47 {strides = array<i32>} : memref<10000xf32, #tpu.memory_space<vmem>>, vector<16xf32>,
      %get3A_54 = arith.index_cast %scan3A_16 : i32 to index
      %get3A_55 = arith.constant 64 : index
      %get3A_56 = tpu.vector_load %arg6[%get3A_54, %get3A_55] {strides = array<i32>} : memref<125x80xi32, #tpu.memory_space<vmem>>, vector<16xi32>,
      %gather3A_57 = tpu.vector_load_idx %arg8[%get3A_56] : memref<10240xf32, #tpu.memory_space<vmem>>[vector<16xi32>], vector<16xf32>,
      %mul3A_58 = arith.constant 80 : i32
      %mul3A_59 = arith.muli %scan3A_16, %mul3A_58 : i32
      %add3A_60 = arith.constant 64 : i32
      %add3A_61 = arith.addi %mul3A_59, %add3A_60 : i32
      %swap3A_62 = arith.index_cast %add3A_61 : i32 to index
      %swap3A_63 = tpu.vector_load %arg9[%swap3A_62] {strides = array<i32>} : memref<10000xf32, #tpu.memory_space<vmem>>, vector<16xf32>,
      tpu.vector_store %arg9[%swap3A_62], %gather3A_57 {strides = array<i32>} : memref<10000xf32, #tpu.memory_space<vmem>>, vector<16xf32>,
      %mul3A_64 = arith.constant 80 : i32
      %mul3A_65 = arith.muli %scan3A_16, %mul3A_64 : i32
      %dma_start3A = tpu.memref_slice %arg9[%mul3A_65] : memref<10000xf32, #tpu.memory_space<vmem>> -> memref<80xf32, #tpu.memory_space<vmem>>
      %dma_start3A_66 = arith.constant 0 : i32
      %dma_start3A_67 = tpu.memref_slice %arg7[%scan3A_16, %dma_start3A_66] : memref<125x80xi32, #tpu.memory_space<vmem>> -> memref<1x80xi32, #tpu.memory_space<vmem>>
      %dma_start3A_68 = tpu.memref_squeeze %dma_start3A_67 : memref<1x80xi32, #tpu.memory_space<vmem>> -> memref<80xi32, #tpu.memory_space<vmem>>
      %dma_start3A_69 = arith.constant 0 : i32
      %dma_start3A_70 = tpu.memref_slice %arg10[%dma_start3A_69] : memref<10240xf32, #tpu.memory_space<vmem_shared>> -> memref<10240xf32, #tpu.memory_space<vmem_shared>>
      tpu.enqueue_indirect_dma source(%dma_start3A : memref<80xf32, #tpu.memory_space<vmem>>) target(%dma_start3A_70 : memref<10240xf32, #tpu.memory_space<vmem_shared>>) offsets(%dma_start3A_68 : memref<80xi32, #tpu.memory_space<vmem>>) semaphore(%arg11 : memref<!tpu.dma_semaphore, #tpu.memory_space<semaphore_mem>>) {add = true}
    }
    %scan3A_8 = arith.constant 125 : i32
    %scan3A_9 = arith.constant 0 : i32
    %scan3A_10 = arith.constant 0 : i32
    %scan3A_11 = arith.constant 125 : i32
    %scan3A_12 = arith.addi %scan3A_10, %scan3A_11 : i32
    %scan3A_13 = arith.constant 1 : i32
    scf.for %scan3A_16 = %scan3A_10 to %scan3A_12 step %scan3A_13  : i32 {
      %mul3A_17 = arith.constant 80 : i32
      %mul3A_18 = arith.muli %scan3A_16, %mul3A_17 : i32
      %dma_wait3A = tpu.memref_slice %arg9[%mul3A_18] : memref<10000xf32, #tpu.memory_space<vmem>> -> memref<80xf32, #tpu.memory_space<vmem>>
      %dma_wait3A_19 = arith.constant 0 : i32
      %dma_wait3A_20 = tpu.memref_slice %arg7[%scan3A_16, %dma_wait3A_19] : memref<125x80xi32, #tpu.memory_space<vmem>> -> memref<1x80xi32, #tpu.memory_space<vmem>>
      %dma_wait3A_21 = tpu.memref_squeeze %dma_wait3A_20 : memref<1x80xi32, #tpu.memory_space<vmem>> -> memref<80xi32, #tpu.memory_space<vmem>>
      %dma_wait3A_22 = arith.constant 0 : i32
      %dma_wait3A_23 = tpu.memref_slice %arg10[%dma_wait3A_22] : memref<10240xf32, #tpu.memory_space<vmem_shared>> -> memref<10240xf32, #tpu.memory_space<vmem_shared>>
      tpu.wait_indirect_dma semaphore(%arg11 : memref<!tpu.dma_semaphore, #tpu.memory_space<semaphore_mem>>) src(%dma_wait3A : memref<80xf32, #tpu.memory_space<vmem>>) dst(%dma_wait3A_23 : memref<10240xf32, #tpu.memory_space<vmem_shared>>)
    }
    %scan3A_14 = arith.constant 125 : i32
    %barrier3A_15 = arith.constant 0 : index
    tpu.barrier barrier_id(%barrier3A_15)
    "tpu.region"() ({
      %run_scoped3A_16 = tpu.sem_alloc : memref<!tpu.dma_semaphore, #tpu.memory_space<semaphore_mem>>
      %dma_start3A = tpu.memref_slice %arg5[%arg0, %multiple_of3A] : memref<2x10240xf32, #tpu.memory_space<hbm>> -> memref<1x640xf32, #tpu.memory_space<hbm>>
      %dma_start3A_17 = tpu.memref_squeeze %dma_start3A : memref<1x640xf32, #tpu.memory_space<hbm>> -> memref<640xf32, #tpu.memory_space<hbm>>
      %dma_start3A_18 = tpu.memref_slice %arg10[%multiple_of3A] : memref<10240xf32, #tpu.memory_space<vmem_shared>> -> memref<640xf32, #tpu.memory_space<vmem_shared>>
      tpu.enqueue_dma source(%dma_start3A_18 : memref<640xf32, #tpu.memory_space<vmem_shared>>) target(%dma_start3A_17 : memref<640xf32, #tpu.memory_space<hbm>>) target_semaphore(%run_scoped3A_16 : memref<!tpu.dma_semaphore, #tpu.memory_space<semaphore_mem>>)
      %dma_wait3A = tpu.memref_slice %arg5[%arg0, %multiple_of3A] : memref<2x10240xf32, #tpu.memory_space<hbm>> -> memref<1x640xf32, #tpu.memory_space<hbm>>
      %dma_wait3A_19 = tpu.memref_squeeze %dma_wait3A : memref<1x640xf32, #tpu.memory_space<hbm>> -> memref<640xf32, #tpu.memory_space<hbm>>
      %dma_wait3A_20 = tpu.memref_slice %arg10[%multiple_of3A] : memref<10240xf32, #tpu.memory_space<vmem_shared>> -> memref<640xf32, #tpu.memory_space<vmem_shared>>
      tpu.wait_dma2 semaphore(%run_scoped3A_16 : memref<!tpu.dma_semaphore, #tpu.memory_space<semaphore_mem>>) src(%dma_wait3A_20 : memref<640xf32, #tpu.memory_space<vmem_shared>>) dst(%dma_wait3A_19 : memref<640xf32, #tpu.memory_space<hbm>>)
      tpu.yield
    }) : () -> ()
    return
  }
}

module attributes {stable_mosaic.version = 14 : i64} {
  func.func @_t1_body(%arg0: memref<10000x128xf32, #tpu.memory_space<vmem>>, %arg1: memref<128x32xf32, #tpu.memory_space<vmem>>, %arg2: memref<2x10240xf32, #tpu.memory_space<vmem>>, %arg3: memref<10000x32xf32, #tpu.memory_space<vmem>>) attributes {dimension_semantics = [], scalar_prefetch = 0 : i64, scratch_operands = 0 : i64, tpu.core_type = #tpu.core_type<tc>} {
    %get3A = arith.constant 0 : index
    %get3A_0 = arith.constant 0 : index
    %get3A_1 = vector.load %arg2[%get3A, %get3A_0] : memref<2x10240xf32, #tpu.memory_space<vmem>>, vector<1x10000xf32>
    %get3A_2 = vector.shape_cast %get3A_1 : vector<1x10000xf32> to vector<10000xf32>
    %get3A_3 = arith.constant 1 : index
    %get3A_4 = arith.constant 0 : index
    %get3A_5 = vector.load %arg2[%get3A_3, %get3A_4] : memref<2x10240xf32, #tpu.memory_space<vmem>>, vector<1x10000xf32>
    %get3A_6 = vector.shape_cast %get3A_5 : vector<1x10000xf32> to vector<10000xf32>
    %add3A = arith.addf %get3A_2, %get3A_6 : vector<10000xf32>
    %add3A_7 = arith.constant 1.000000e+00 : f32
    %add3A_8 = vector.broadcast %add3A_7 : f32 to vector<10000xf32>
    %add3A_9 = arith.addf %add3A, %add3A_8 : vector<10000xf32>
    %rsqrt3A = math.rsqrt %add3A_9 : vector<10000xf32>
    %get3A_10 = arith.constant 0 : index
    %get3A_11 = arith.constant 0 : index
    %get3A_12 = vector.load %arg0[%get3A_10, %get3A_11] : memref<10000x128xf32, #tpu.memory_space<vmem>>, vector<10000x128xf32>
    %get3A_13 = arith.constant 0 : index
    %get3A_14 = arith.constant 0 : index
    %get3A_15 = vector.load %arg1[%get3A_13, %get3A_14] : memref<128x32xf32, #tpu.memory_space<vmem>>, vector<128x32xf32>
    %dot_general3A = arith.constant dense<0.000000e+00> : vector<10000x32xf32>
    %dot_general3A_16 = tpu.matmul %get3A_12, %get3A_15, %dot_general3A {dimension_numbers = #tpu.dot_dimension_numbers<[1], [0], [0], [1], [0, 0, 1, 1], [], []>, transpose_lhs_hint = false} : vector<10000x128xf32>, vector<128x32xf32>, vector<10000x32xf32> -> vector<10000x32xf32>
    %broadcast_in_dim3A = vector.shape_cast %rsqrt3A : vector<10000xf32> to vector<10000x1xf32>
    %mul3A = vector.broadcast %broadcast_in_dim3A : vector<10000x1xf32> to vector<10000x32xf32>
    %mul3A_17 = arith.mulf %dot_general3A_16, %mul3A : vector<10000x32xf32>
    %swap3A = arith.constant 0 : index
    %swap3A_18 = arith.constant 0 : index
    %swap3A_19 = vector.load %arg3[%swap3A, %swap3A_18] : memref<10000x32xf32, #tpu.memory_space<vmem>>, vector<10000x32xf32>
    tpu.vector_store %arg3[%swap3A, %swap3A_18], %mul3A_17 {strides = array<i32>} : memref<10000x32xf32, #tpu.memory_space<vmem>>, vector<10000x32xf32>,
    return
  }
}

module attributes {stable_mosaic.version = 14 : i64} {
  func.func @_t2_body(%arg0: memref<5120x128xf32, #tpu.memory_space<vmem>>, %arg1: memref<2x2560x4xf32, #tpu.memory_space<vmem>>, %arg2: memref<1x128xf32, #tpu.memory_space<vmem>>, %arg3: memref<128x4xf32, #tpu.memory_space<vmem>>, %arg4: memref<2560x4xf32, #tpu.memory_space<vmem>>) attributes {dimension_semantics = [], scalar_prefetch = 0 : i64, scratch_operands = 0 : i64, tpu.core_type = #tpu.core_type<tc>} {
    %get3A = arith.constant 0 : index
    %get3A_0 = arith.constant 0 : index
    %get3A_1 = vector.load %arg0[%get3A, %get3A_0] : memref<5120x128xf32, #tpu.memory_space<vmem>>, vector<2560x128xf32>
    %get3A_2 = arith.constant 2560 : index
    %get3A_3 = arith.constant 0 : index
    %get3A_4 = vector.load %arg0[%get3A_2, %get3A_3] : memref<5120x128xf32, #tpu.memory_space<vmem>>, vector<2560x128xf32>
    %add3A = arith.addf %get3A_1, %get3A_4 : vector<2560x128xf32>
    %get3A_5 = arith.constant 0 : index
    %get3A_6 = arith.constant 0 : index
    %get3A_7 = arith.constant 0 : index
    %get3A_8 = vector.load %arg1[%get3A_5, %get3A_6, %get3A_7] : memref<2x2560x4xf32, #tpu.memory_space<vmem>>, vector<1x2560x4xf32>
    %get3A_9 = vector.shape_cast %get3A_8 : vector<1x2560x4xf32> to vector<2560x4xf32>
    %get3A_10 = arith.constant 1 : index
    %get3A_11 = arith.constant 0 : index
    %get3A_12 = arith.constant 0 : index
    %get3A_13 = vector.load %arg1[%get3A_10, %get3A_11, %get3A_12] : memref<2x2560x4xf32, #tpu.memory_space<vmem>>, vector<1x2560x4xf32>
    %get3A_14 = vector.shape_cast %get3A_13 : vector<1x2560x4xf32> to vector<2560x4xf32>
    %add3A_15 = arith.addf %get3A_9, %get3A_14 : vector<2560x4xf32>
    %add3A_16 = arith.constant 1.000000e+00 : f32
    %add3A_17 = vector.broadcast %add3A_16 : f32 to vector<2560x4xf32>
    %add3A_18 = arith.addf %add3A_15, %add3A_17 : vector<2560x4xf32>
    %rsqrt3A = math.rsqrt %add3A_18 : vector<2560x4xf32>
    %slice3A = vector.extract_strided_slice %rsqrt3A {offsets = [0, 0], sizes = [2560, 1], strides = [1, 1]} : vector<2560x4xf32> to vector<2560x1xf32>
    %broadcast_in_dim3A = vector.shape_cast %slice3A : vector<2560x1xf32> to vector<2560x1xf32>
    %broadcast_in_dim3A_19 = vector.broadcast %broadcast_in_dim3A : vector<2560x1xf32> to vector<2560x32xf32>
    %slice3A_20 = vector.extract_strided_slice %rsqrt3A {offsets = [0, 1], sizes = [2560, 1], strides = [1, 1]} : vector<2560x4xf32> to vector<2560x1xf32>
    %broadcast_in_dim3A_21 = vector.shape_cast %slice3A_20 : vector<2560x1xf32> to vector<2560x1xf32>
    %broadcast_in_dim3A_22 = vector.broadcast %broadcast_in_dim3A_21 : vector<2560x1xf32> to vector<2560x32xf32>
    %slice3A_23 = vector.extract_strided_slice %rsqrt3A {offsets = [0, 2], sizes = [2560, 1], strides = [1, 1]} : vector<2560x4xf32> to vector<2560x1xf32>
    %broadcast_in_dim3A_24 = vector.shape_cast %slice3A_23 : vector<2560x1xf32> to vector<2560x1xf32>
    %broadcast_in_dim3A_25 = vector.broadcast %broadcast_in_dim3A_24 : vector<2560x1xf32> to vector<2560x32xf32>
    %slice3A_26 = vector.extract_strided_slice %rsqrt3A {offsets = [0, 3], sizes = [2560, 1], strides = [1, 1]} : vector<2560x4xf32> to vector<2560x1xf32>
    %broadcast_in_dim3A_27 = vector.shape_cast %slice3A_26 : vector<2560x1xf32> to vector<2560x1xf32>
    %broadcast_in_dim3A_28 = vector.broadcast %broadcast_in_dim3A_27 : vector<2560x1xf32> to vector<2560x32xf32>
    %concatenate3A = tpu.concatenate %broadcast_in_dim3A_19, %broadcast_in_dim3A_22, %broadcast_in_dim3A_25, %broadcast_in_dim3A_28 in 1 : vector<2560x32xf32>, vector<2560x32xf32>, vector<2560x32xf32>, vector<2560x32xf32> -> vector<2560x128xf32>
    %mul3A = arith.mulf %concatenate3A, %add3A : vector<2560x128xf32>
    %get3A_29 = arith.constant 0 : index
    %get3A_30 = arith.constant 0 : index
    %get3A_31 = vector.load %arg2[%get3A_29, %get3A_30] : memref<1x128xf32, #tpu.memory_space<vmem>>, vector<1x128xf32>
    %add3A_32 = vector.broadcast %get3A_31 : vector<1x128xf32> to vector<2560x128xf32>
    %add3A_33 = arith.addf %mul3A, %add3A_32 : vector<2560x128xf32>
    %max3A = arith.constant 0.000000e+00 : f32
    %max3A_34 = vector.broadcast %max3A : f32 to vector<2560x128xf32>
    %max3A_35 = arith.maximumf %add3A_33, %max3A_34 : vector<2560x128xf32>
    %get3A_36 = arith.constant 0 : index
    %get3A_37 = arith.constant 0 : index
    %get3A_38 = vector.load %arg3[%get3A_36, %get3A_37] : memref<128x4xf32, #tpu.memory_space<vmem>>, vector<128x4xf32>
    %dot_general3A = arith.constant dense<0.000000e+00> : vector<2560x4xf32>
    %dot_general3A_39 = tpu.matmul %max3A_35, %get3A_38, %dot_general3A {dimension_numbers = #tpu.dot_dimension_numbers<[1], [0], [0], [1], [0, 0, 1, 1], [], []>, transpose_lhs_hint = false} : vector<2560x128xf32>, vector<128x4xf32>, vector<2560x4xf32> -> vector<2560x4xf32>
    %mul3A_40 = arith.mulf %rsqrt3A, %dot_general3A_39 : vector<2560x4xf32>
    %swap3A = arith.constant 0 : index
    %swap3A_41 = arith.constant 0 : index
    %swap3A_42 = vector.load %arg4[%swap3A, %swap3A_41] : memref<2560x4xf32, #tpu.memory_space<vmem>>, vector<2560x4xf32>
    tpu.vector_store %arg4[%swap3A, %swap3A_41], %mul3A_40 {strides = array<i32>} : memref<2560x4xf32, #tpu.memory_space<vmem>>, vector<2560x4xf32>,
    return
  }
}

module attributes {stable_mosaic.version = 14 : i64} {
  func.func @_t3_body(%arg0: memref<160x128xf32, #tpu.memory_space<vmem>>, %arg1: memref<80x128xf32, #tpu.memory_space<vmem>>, %arg2: memref<160x128xf32, #tpu.memory_space<vmem>>, %arg3: memref<1x1xf32, #tpu.memory_space<vmem>>, %arg4: memref<80x128xf32, #tpu.memory_space<vmem>>) attributes {dimension_semantics = [], scalar_prefetch = 0 : i64, scratch_operands = 0 : i64, tpu.core_type = #tpu.core_type<tc>} {
    %get3A = arith.constant 0 : index
    %get3A_0 = arith.constant 0 : index
    %get3A_1 = vector.load %arg2[%get3A, %get3A_0] : memref<160x128xf32, #tpu.memory_space<vmem>>, vector<80x128xf32>
    %get3A_2 = arith.constant 80 : index
    %get3A_3 = arith.constant 0 : index
    %get3A_4 = vector.load %arg2[%get3A_2, %get3A_3] : memref<160x128xf32, #tpu.memory_space<vmem>>, vector<80x128xf32>
    %add3A = arith.addf %get3A_1, %get3A_4 : vector<80x128xf32>
    %add3A_5 = arith.constant 1.000000e+00 : f32
    %add3A_6 = vector.broadcast %add3A_5 : f32 to vector<80x128xf32>
    %add3A_7 = arith.addf %add3A, %add3A_6 : vector<80x128xf32>
    %rsqrt3A = math.rsqrt %add3A_7 : vector<80x128xf32>
    %get3A_8 = arith.constant 0 : index
    %get3A_9 = arith.constant 0 : index
    %get3A_10 = vector.load %arg0[%get3A_8, %get3A_9] : memref<160x128xf32, #tpu.memory_space<vmem>>, vector<80x128xf32>
    %get3A_11 = arith.constant 80 : index
    %get3A_12 = arith.constant 0 : index
    %get3A_13 = vector.load %arg0[%get3A_11, %get3A_12] : memref<160x128xf32, #tpu.memory_space<vmem>>, vector<80x128xf32>
    %add3A_14 = arith.addf %get3A_10, %get3A_13 : vector<80x128xf32>
    %get3A_15 = arith.constant 0 : index
    %get3A_16 = arith.constant 0 : index
    %get3A_17 = vector.load %arg1[%get3A_15, %get3A_16] : memref<80x128xf32, #tpu.memory_space<vmem>>, vector<80x128xf32>
    %add3A_18 = arith.addf %add3A_14, %get3A_17 : vector<80x128xf32>
    %mul3A = arith.mulf %rsqrt3A, %add3A_18 : vector<80x128xf32>
    %get3A_19 = arith.constant 0 : index
    %get3A_20 = arith.constant 0 : index
    %get3A_21 = vector.load %arg3[%get3A_19, %get3A_20] : memref<1x1xf32, #tpu.memory_space<vmem>>, vector<1x1xf32>
    %get3A_22 = vector.extract %get3A_21[0, 0] : f32 from vector<1x1xf32>
    %add3A_23 = vector.broadcast %get3A_22 : f32 to vector<80x128xf32>
    %add3A_24 = arith.addf %mul3A, %add3A_23 : vector<80x128xf32>
    %swap3A = arith.constant 0 : index
    %swap3A_25 = arith.constant 0 : index
    %swap3A_26 = vector.load %arg4[%swap3A, %swap3A_25] : memref<80x128xf32, #tpu.memory_space<vmem>>, vector<80x128xf32>
    tpu.vector_store %arg4[%swap3A, %swap3A_25], %add3A_24 {strides = array<i32>} : memref<80x128xf32, #tpu.memory_space<vmem>>, vector<80x128xf32>,
    return
  }
}

</mosaic_0001>

<sc_bundles>
// kernel: kernel.11.cloned.1.call-start
scs
__scs_entry_jumppad:
0x0: {  	(pc) =	sbr.rel $0x88, $3  }
0x1: {  	(tag) =	ssettag $0x0;
	lr =	simm.s32 $0x1  }
0x2: {  	[smem:$0x3F9B] =	sst lr;
	_ =	strace $0xD0000000  }
0x3: {  	_ = 	snop  }
0x4: {  	_ = 	snop  }
0x5: {  	_ = 	snop  }
0x6: {  	_ = 	snop  }
0x7: {  	_ = 	snop  }
__scs_overlays_trampoline_lowered:
0x8: {  	[smem:$0x3FAA] =	sst s0  }
0x9: {  	[smem:$0x3FAB] =	sst s1  }
0xa: {  	[smem:$0x3FAC] =	sst s2  }
0xb: {  	[smem:$0x3FAD] =	sst s3  }
0xc: {  	[smem:$0x3FAE] =	sst s4  }
0xd: {  	[smem:$0x3FAF] =	sst s5  }
0xe: {  	[smem:$0x3FB0] =	sst s6  }
0xf: {  	[smem:$0x3FB1] =	sst s7  }
0x10: {  	[smem:$0x3FB2] =	sst s8  }
0x11: {  	[smem:$0x3FB3] =	sst s9;
	s0 =	simm.s32 @!p0 $0x0  }
0x12: {  	s1 =	sld [smem:$0x3F99];
	s0 =	simm.s32 @p0 $0x1  }
0x13: {  	[smem:$0x3FB4] =	sst s0;
	s0 =	simm.s32 @!p1 $0x0  }
0x14: {  	s2 =	sld [smem:$0x3F98];
	s0 =	simm.s32 @p1 $0x1  }
0x15: {  	[smem:$0x3FB5] =	sst s0;
	s0 =	simm.s32 @!p2 $0x0  }
0x16: {  	s3 =	sld [smem:$0x3FDB];
	s0 =	simm.s32 @p2 $0x1  }
0x17: {  	s4 =	simm.s32 $0x1BF5;
	[smem:$0x3FB7] =	sst s0  }
0x18: {  	s0 =	sld [smem:$0x3F9A];
	_ =	swait.ge [sflag:s4], $0x0  }
0x19: {  	s7 =	sld [smem:$0x3F9B]  }
0x1a: {  	s8 =	sadd.s32 $0xFFFFE003, lr  }
0x1b: {  	s9 =	sadd.s32 $0xFFFFFEF7, lr;
	s5 =	simm.s32 $0xFFFFFFFF;
	p2 =	slt.u32 s8, $0xFFFFF086  }
0x1c: {  	p1 =	slt.u32 s9, $0xF7A;
	s5 =	simm.s32 @!p2 $0x0  }
0x1d: {  	s5 =	simm.s32 @p1 $0x1;
	p0 =	seq.s32 s7, s2  }
0x1e: {  	s7 =	smul.u32 @!p0 $0xF7A, s2;
	p2 =	seq.s32 @!p0 s5, $0x0  }
0x1f: {  	s9 =	smul.u32 $0xF7A, s1;
	s8 =	simm.s32 @!p0 $0x1BF5;
	p2 =	por !p2, p0  }
0x20: {  	[sflag:s8] =	ssyncset.s32 @!p0 $0xFFFFF086;
	s6 =	sadd.s32 @!p0 s3, s7;
	s7 =	simm.s32 @!p0 $0x108  }
0x21: {  	s3 =	sadd.s32 s3, s9;
	s6 =	sadd.s32 @!p0 $0x88, s6;
	s7 =	simm.s32 @p2 $0x1082  }
0x22: {  	[simem:s7], [sflag:s8] =	dma.local @!p0 [hbm:s6], $0xF7A  }
0x23: {  	s9 =	sor.u32 $0xD0000000, s2;
	s6 =	simm.s32 $0x108;
	_ =	swait.ge @!p0 [sflag:s8], $0x0  }
0x24: {  	s3 =	sadd.s32 $0x88, s3;
	s6 =	simm.s32 @!p1 $0x1082;
	[sflag:s4] =	ssyncset.s32 $0xFFFFF086  }
0x25: {  	[simem:s6], [sflag:s4] =	dma.local [hbm:s3], $0xF7A  }
0x26: {  	[smem:$0x3F9B] =	sst s1;
	(tag) =	ssettag s2;
	_ =	strace s9  }
0x27: {  	s1 =	sld [smem:$0x3FAB]  }
0x28: {  	s2 =	sld [smem:$0x3FAC]  }
0x29: {  	s4 =	sld [smem:$0x3FAE]  }
0x2a: {  	p0 =	seq.s32 s5, $0x0;
	s5 =	sld [smem:$0x3FAF]  }
0x2b: {  	s6 =	sld [smem:$0x3FB0]  }
0x2c: {  	s7 =	sld [smem:$0x3FB1]  }
0x2d: {  	s3 =	simm.s32 $0x108;
	s8 =	sld [smem:$0x3FB2]  }
0x2e: {  	s3 =	simm.s32 @!p0 $0x1082;
	s9 =	sld [smem:$0x3FB3]  }
0x2f: {  	lr =	sadd.s32 s0, s3;
	s0 =	sld [smem:$0x3FAA]  }
0x30: {  	s3 =	sld [smem:$0x3FAD]  }
0x31: {  	[smem:$0x3FB6] =	sst s10  }
0x32: {  	s10 =	sld [smem:$0x3FB4];
	_ =	sdelay $0x3  }
0x33: {  	p0 =	seq.s32 s10, $0x1;
	s10 =	sld [smem:$0x3FB6];
	_ =	sdelay $0x3  }
0x34: {  	[smem:$0x3FB6] =	sst s10  }
0x35: {  	s10 =	sld [smem:$0x3FB5];
	_ =	sdelay $0x3  }
0x36: {  	p1 =	seq.s32 s10, $0x1;
	s10 =	sld [smem:$0x3FB6];
	_ =	sdelay $0x3  }
0x37: {  	[smem:$0x3FB6] =	sst s10  }
0x38: {  	s10 =	sld [smem:$0x3FB7]  }
0x39: {  	_ = 	snop;
	(pc) =	sbr.ind lr, $3  }
0x3a: {  	_ = 	snop  }
0x3b: {  	_ = 	snop  }
0x3c: {  	p2 =	seq.s32 s10, $0x1;
	s10 =	sld [smem:$0x3FB6]  }
0x3d: {  	_ =	shalt  }
0x3e: {  	_ =	shalt  }
0x3f: {  	_ =	shalt  }
0x40: {  	_ =	shalt  }
0x41: {  	_ =	shalt  }
0x42: {  	_ =	shalt  }
0x43: {  	_ =	shalt  }
0x44: {  	_ =	shalt  }
0x45: {  	_ =	shalt  }
0x46: {  	_ =	shalt  }
0x47: {  	_ =	shalt  }
0x48: {  	_ =	shalt  }
0x49: {  	_ =	shalt  }
0x4a: {  	_ =	shalt  }
0x4b: {  	_ =	shalt  }
0x4c: {  	_ =	shalt  }
0x4d: {  	_ =	shalt  }
0x4e: {  	_ =	shalt  }
0x4f: {  	_ =	shalt  }
0x50: {  	_ =	shalt  }
0x51: {  	_ =	shalt  }
0x52: {  	_ =	shalt  }
0x53: {  	_ =	shalt  }
0x54: {  	_ =	shalt  }
0x55: {  	_ =	shalt  }
0x56: {  	_ =	shalt  }
0x57: {  	_ =	shalt  }
0x58: {  	_ =	shalt  }
0x59: {  	_ =	shalt  }
0x5a: {  	_ =	shalt  }
0x5b: {  	_ =	shalt  }
0x5c: {  	_ =	shalt  }
0x5d: {  	_ =	shalt  }
0x5e: {  	_ =	shalt  }
0x5f: {  	_ =	shalt  }
0x60: {  	_ =	shalt  }
0x61: {  	_ =	shalt  }
0x62: {  	_ =	shalt  }
0x63: {  	_ =	shalt  }
0x64: {  	_ =	shalt  }
0x65: {  	_ =	shalt  }
0x66: {  	_ =	shalt  }
0x67: {  	_ =	shalt  }
0x68: {  	_ =	shalt  }
0x69: {  	_ =	shalt  }
0x6a: {  	_ =	shalt  }
0x6b: {  	_ =	shalt  }
0x6c: {  	_ =	shalt  }
0x6d: {  	_ =	shalt  }
0x6e: {  	_ =	shalt  }
0x6f: {  	_ =	shalt  }
0x70: {  	_ =	shalt  }
0x71: {  	_ =	shalt  }
0x72: {  	_ =	shalt  }
0x73: {  	_ =	shalt  }
0x74: {  	_ =	shalt  }
0x75: {  	_ =	shalt  }
0x76: {  	_ =	shalt  }
0x77: {  	_ =	shalt  }
0x78: {  	_ =	shalt  }
0x79: {  	_ =	shalt  }
0x7a: {  	_ =	shalt  }
0x7b: {  	_ =	shalt  }
0x7c: {  	_ =	shalt  }
0x7d: {  	_ =	shalt  }
0x7e: {  	_ =	shalt  }
0x7f: {  	_ =	shalt  }
0x80: {  	_ =	shalt  }
0x81: {  	_ =	shalt  }
0x82: {  	_ =	shalt  }
0x83: {  	_ =	shalt  }
0x84: {  	_ =	shalt  }
0x85: {  	_ =	shalt  }
0x86: {  	_ =	shalt  }
0x87: {  	_ =	shalt  }
.Lfunc_end0:
.L_simem_size_0:
called_computation.1_lowered:
.L_overlay_start_0:
0x88: {  	s2 =	sld [smem:$0x3FD9]  }
0x89: {  	s3 =	sld [smem:$0x3FFE];
	_ =	sdelay $0x1  }
0x8a: {  	s1 =	srdreg.scid  }
0x8b: {  	s0 =	sand.u32 $0x1, s1  }
0x8c: {  	s16 =	sshll.u32 s0, $0xA;
	s2 =	sadd.s32 s3, s2  }
0x8d: {  	s2 =	sadd.s32 s2, s16  }
0x8e: {  	[smem:$0x3FC2] =	sst s2  }
0x8f: {  	_ = 	snop  }
0x90: {  	(tm) =	ssettm $0x1  }
0x91: {  	s17 =	sld [smem:$0x3FFB];
	_ =	sdelay $0x3  }
0x92: {  	_ =	strace s17  }
0x93: {  	s2 =	sld [smem:$0x3FFC];
	_ =	sdelay $0x3  }
0x94: {  	_ =	strace s2  }
0x95: {  	s2 =	sld [smem:$0x3FFD];
	_ =	sdelay $0x3  }
0x96: {  	_ =	strace s2  }
0x97: {  	_ =	strace $0x8FFFFFFF  }
0x98: {  	s18 =	sld [smem:$0x3FDB];
	_ =	sdelay $0x1  }
0x99: {  	s19 =	simm.s32 $_scs_section_size  }
0x9a: {  	s4 =	simm.s32 $_size__tile_overlayer_lowered;
	s5 =	simm.s32 $_tile_overlayer_lowered  }
0x9b: {  	s22 =	simm.s32 $0x1BFF;
	s21 =	sshll.u32 s5, $0x1;
	s2 =	sadd.s32 s19, s18  }
0x9c: {  	s6 =	simm.s32 $0x0;
	s20 =	sshll.u32 s4, $0x1;
	s4 =	sadd.s32 s21, s2  }
0x9d: {  	[timem:s6], [sflag:s22] =	dma.local [hbm:s4], s20  }
0x9e: {  	_ =	swait.ge [sflag:s22], s20  }
0x9f: {  	s3 =	ssub.s32 $0x0, s20;
	[sflag:s22] =	ssyncset.done $0x0  }
0xa0: {  	[sflag:s22] =	ssyncadd.s32 s3;
	_ =	sdelay $0x1  }
0xa1: {  	s23 =	simm.s32 $0x1B8B  }
0xa2: {  	_ =	swait.ge [sflag:s23], $0x1  }
0xa3: {  	[sflag:s23] =	ssyncset.done $0x0  }
0xa4: {  	s25 =	simm.s32 $0x1B8E;
	s24 =	sld [smem:$0x3FFE];
	[sflag:s23] =	ssyncadd.s32 $0xFFFFFFFF  }
0xa5: {  	s26 =	simm.s32 $execute0_lowered;
	[smem:$0x3FD2] =	sst s25  }
0xa6: {  	s4 =	sshll.u32 s26, $0x1;
	_ =	strace $0x80000049;
	[dreg:$0x1] =	wrdreg $0xFFFFFFFF  }
0xa7: {  	s28 =	simm.s32 $_size_execute0_lowered;
	s2 =	sadd.s32 s2, s4;
	[dreg:$0x0] =	wrdreg $0x0  }
0xa8: {  	s4 =	sshll.u32 s28, $0x1;
	[dreg:$0x2] =	wrdreg s2  }
0xa9: {  	[dreg:$0x3] =	wrdreg s4  }
0xaa: {  	[dreg:$0x4] =	wrdreg $0xC0  }
0xab: {  	_ =	task [dreg:s6], $0x5FFFF  }
0xac: {  	[dreg:$0x1] =	wrdreg $0xFFFFFFFF  }
0xad: {  	[dreg:$0x0] =	wrdreg $0x60  }
0xae: {  	[dreg:$0x2] =	wrdreg s24  }
0xaf: {  	[dreg:$0x3] =	wrdreg $0xE4200  }
0xb0: {  	[dreg:$0x4] =	wrdreg $0x9  }
0xb1: {  	_ =	task.clear_ibuf [dreg:s6], $0x5FFFF;
	_ =	strace $0x90000049  }
0xb2: {  	s29 =	simm.s32 $0x9;
	_ =	strace $0x8000004B  }
0xb3: {  	_ =	swait.ge [sflag:s29], $0x1  }
0xb4: {  	[sflag:s29] =	ssyncadd.s32 $0xFFFFFFFF  }
0xb5: {  	_ =	strace $0x9000004B  }
0xb6: {  	_ =	sfence  }
0xb7: {  	s30 =	sld [smem:$0x0];
	_ =	sdelay $0x2  }
0xb8: {  	s31 =	sshll.u32 s1, $0xD;
	s1 =	sshrl.u32 s1, $0x2  }
0xb9: {  	s3 =	sand.u32 $0x4000, s31;
	s1 =	sadd.s32 s1, s30  }
0xba: {  	s0 =	sor.u32 s3, s0;
	s1 =	sshll.u32 s1, $0x11  }
0xbb: {  	s0 =	sor.u32 s1, s0  }
0xbc: {  	s0 =	sadd.s32 $0x8F2B, s0  }
0xbd: {  	[sflag:s0] =	ssyncadd.remote.s32 $0x1  }
0xbe: {  	_ =	sfence.sel $0xFFFF  }
0xbf: {  	[dreg:$0x0] =	wrdreg $0xFFFFFFFF;
	(pc) =	sbr.abs _section_cstart, $3  }
0xc0: {  	[dreg:$0x1] =	wrdreg $0xFFFFFFFF  }
0xc1: {  	_ =	task.clear_ibuf [dreg:s6], $0x2FFFF;
	_ =	strace $0x9FFFFFFF  }
0xc2: {  	(tm) =	ssettm $0x7FFFFFFF  }
0xc3: {  	_ =	shalt  }
tec
execute0_lowered:
.L_overlay_start_1:
0x0: {  	(tag) =	ssettag $0x1  }
0x1: {  	s0 =	srdreg.scid  }
0x2: {  	s16 =	stileid.u32;
	s6 =	rddreg [dreg:$0x0]  }
0x3: {  	s2 =	rddreg [dreg:$0x1];
	s3 =	simm.s32 $0x0;
	s19 =	simm.s32 $0x3  }
0x4: {  	s21 =	simm.s32 $0x50;
	s29 =	simm.s32 $0x140;
	s30 =	simm.s32 $0x7620  }
0x5: {  	s31 =	simm.s32 $0x1;
	s0 =	sand.u32 $0x1, s0;
	s7 =	smul.u32 $0x5000, s16  }
0x6: {  	[smem:$0x7FF] =	sst s3;
	s4 =	sadd.s32 $0x16600, s6;
	p1 =	sne.s32 s16, $0xF  }
0x7: {  	p2 =	seq.s32 s16, $0xF;
	s9 =	smul.u32 $0x14000, s16;
	s15 =	sadd.s32 $0x4B000, s2  }
0x8: {  	s1 =	sshll.u32 s0, $0x4;
	s5 =	smul.u32 $0x50000, s0;
	_ =	strace $0x8000004A  }
0x9: {  	s26 =	ssub.s32 $0x2, s0;
	p0 =	seq.s32 s0, $0x0;
	s1 =	sor.u32 s16, s1  }
0xa: {  	s10 =	sshrl.u32 s26, $0x1;
	p1 =	por !p0, !p1;
	p2 =	por !p0, !p2  }
0xb: {  	s9 =	sshrl.u32 s9, $0x2;
	s28 =	sshrl.u32 s7, $0x3;
	s1 =	smul.u32 $0x2710, s1  }
0xc: {  	s8 =	sadd.s32 s7, s5;
	s5 =	sadd.s32 $0x20400, s6;
	p0 =	por !p1, !p1  }
0xd: {  	p2 =	por !p2, !p2;
	s12 =	ssub.s32 s26, s10;
	s14 =	sadd.s32 s9, s2  }
0xe: {  	s7 =	sadd.s32 s7, s2;
	s8 =	sshrl.u32 s8, $0x3;
	p1 =	por p2, p0  }
0xf: {  	s12 =	smax.u32 s12, $0x1;
	s18 =	sshrl.u32 @p0 s7, $0x3;
	s1 =	sshrl.u32 s1, $0x3  }
0x10: {  	s11 =	sadd.s32 s8, s6;
	p1 =	seq.s32 @!p1 s0, $0x0;
	s0 =	sadd.s32 $0x4E200, s2  }
0x11: {  	s8 =	sadd.s32 s4, s28;
	s1 =	sadd.s32 s1, s6;
	s6 =	sadd.s32 $0x1FC00, s6  }
0x12: {  	p1 =	por @!p0 p1, p2;
	s11 =	sadd.s32 $0x20E00, s11;
	p2 =	por !p2, p0  }
0x13: {  	p1 =	por p1, p0;
	s9 =	sadd.s32 $0x2000, s1;
	s10 =	sadd.s32 $0xBC40, s1  }
0x14: {  	s15 =	sshrl.u32 @!p2 s15, $0x3;
	s1 =	sshll.u32 @!p1 s16, $0x6;
	s14 =	sshrl.u32 @!p1 s14, $0x3  }
0x15: {  	s13 =	sor.u32 @!p1 $0x1C03, s1;
	s1 =	sshll.u32 @p0 s16, $0x6;
	s16 =	sshrl.u32 @!p2 s0, $0x3  }
0x16: {  	s0 =	simm.s32 $0x0;
	s17 =	sor.u32 @p0 $0x1C03, s1;
	s1 =	simm.s32 $0x2  }
.LBB2_1:
0x17: {  	[spmem:s14], [sflag:s13] =	dma.local @!p1 [hbm:s5], $0xA00  }
0x18: {  	s20 =	simm.s32 @!p1 $0x3  }
0x19: {  	_ =	swait.ge @!p1 [sflag:s20], $0xA00  }
0x1a: {  	[sflag:s20] =	ssyncset.done @!p1 $0x0  }
0x1b: {  	s22 =	simm.s32 @!p2 $0x3;
	[sflag:s20] =	ssyncadd.s32 @!p1 $0xFFFFF600;
	s20 =	simm.s32 @!p2 $0x1FC3  }
0x1c: {  	[spmem:s15], [sflag:s20] =	dma.local @!p2 [hbm:s6], $0x640  }
0x1d: {  	_ =	swait.ge @!p2 [sflag:s22], $0x640  }
0x1e: {  	[sflag:s22] =	ssyncset.done @!p2 $0x0  }
0x1f: {  	[sflag:s22] =	ssyncadd.s32 @!p2 $0xFFFFF9C0  }
0x20: {  	[spmem:s16], [sflag:s20] =	dma.local @!p2 [hbm:s5], $0x3C0  }
0x21: {  	_ =	swait.ge @!p2 [sflag:s22], $0x3C0  }
0x22: {  	[sflag:s22] =	ssyncset.done @!p2 $0x0  }
0x23: {  	s20 =	simm.s32 @p0 $0x3;
	[sflag:s22] =	ssyncadd.s32 @!p2 $0xFFFFFC40  }
0x24: {  	[spmem:s18], [sflag:s17] =	dma.local @p0 [hbm:s8], $0xA00  }
0x25: {  	_ =	swait.ge @p0 [sflag:s20], $0xA00  }
0x26: {  	[sflag:s20] =	ssyncset.done @p0 $0x0  }
0x27: {  	[sflag:s20] =	ssyncadd.s32 @p0 $0xFFFFF600  }
0x28: {  	[tilespmem:s3], [sflag:$0x3] =	stream.linear.gather [hbm4b:s9+s3], $0x2710, $0x38;
	[tilespmem:$0x13420] =	vst v63  }
0x29: {  	_ =	swait.ge [sflag:s19], $0x2710  }
0x2a: {  	[sflag:s19] =	ssyncset.done $0x0  }
0x2b: {  	s28 =	simm.s32 $0x2710;
	[sflag:s19] =	ssyncadd.s32 $0xFFFFD8F0  }
0x2c: {  	[tilespmem:s28], [sflag:$0x3] =	stream.linear.gather [hbm4b:s10+s3], $0x2710, $0x38;
	[tilespmem:$0x13420] =	vst v63  }
0x2d: {  	_ =	swait.ge [sflag:s19], $0x2710  }
0x2e: {  	[sflag:s19] =	ssyncset.done $0x0  }
0x2f: {  	[sflag:s19] =	ssyncadd.s32 $0xFFFFD8F0  }
0x30: {  	s22 =	simm.s32 $0x4E20;
	[bflag:$0x0] =	sbarrier.arrive $0xFFFF  }
0x31: {  	[tilespmem:s22], [sflag:$0x1] =	stream.indirect.gather [hbm4b:s4+s21], $0x20, s3, s21, $0xb8;
	[tilespmem:$0x13420] =	vst v63  }
0x32: {  	s23 =	simm.s32 $0x5820  }
0x33: {  	[tilespmem:s23], [sflag:$0x1] =	stream.indirect.gather [hbm4b:s4+s21], $0x20, s21, s21, $0xb8;
	[tilespmem:$0x13420] =	vst v63  }
0x34: {  	s24 =	simm.s32 $0xA0;
	s25 =	simm.s32 $0x6220  }
0x35: {  	[tilespmem:s25], [sflag:$0x1] =	stream.indirect.gather [hbm4b:s4+s21], $0x20, s24, s21, $0xb8;
	[tilespmem:$0x13420] =	vst v63  }
0x36: {  	s26 =	simm.s32 $0xF0;
	s28 =	simm.s32 $0x6C20  }
0x37: {  	[tilespmem:s28], [sflag:$0x1] =	stream.indirect.gather [hbm4b:s4+s21], $0x20, s26, s21, $0xb8;
	[tilespmem:$0x13420] =	vst v63  }
0x38: {  	s20 =	simm.s32 $0x0;
	s22 =	simm.s32 $0x0  }
0x39: {  	[tilespmem:s30], [sflag:$0x1] =	stream.indirect.gather [hbm4b:s4+s21], $0x20, s29, s21, $0xb8;
	[tilespmem:$0x13420] =	vst v63  }
.LBB2_2:
0x3a: {  	p3 =	slt.u32 s22, $0x2  }
0x3b: {  	s24 =	simm.s32 @!p3 $0x2  }
0x3c: {  	_ =	swait.ge @!p3 [sflag:s24], $0xA00  }
0x3d: {  	[sflag:s24] =	ssyncset.done @!p3 $0x0  }
0x3e: {  	[sflag:s24] =	ssyncadd.s32 @!p3 $0xFFFFF600  }
0x3f: {  	_ =	swait.ge @!p3 [sflag:s24], $0xA00  }
0x40: {  	[sflag:s24] =	ssyncset.done @!p3 $0x0  }
0x41: {  	[sflag:s24] =	ssyncadd.s32 @!p3 $0xFFFFF600  }
0x42: {  	_ =	swait.ge @!p3 [sflag:s24], $0xA00  }
0x43: {  	[sflag:s24] =	ssyncset.done @!p3 $0x0  }
0x44: {  	[sflag:s24] =	ssyncadd.s32 @!p3 $0xFFFFF600  }
0x45: {  	_ =	swait.ge @!p3 [sflag:s24], $0xA00  }
0x46: {  	[sflag:s24] =	ssyncset.done @!p3 $0x0  }
0x47: {  	[sflag:s24] =	ssyncadd.s32 @!p3 $0xFFFFF600  }
0x48: {  	_ =	swait.ge @!p3 [sflag:s24], $0xA00  }
0x49: {  	s23 =	smul.u32 $0xAB, s22;
	p4 =	seq.s32 @!p3 s20, $0x9600;
	[sflag:s24] =	ssyncset.done @!p3 $0x0  }
0x4a: {  	p4 =	por p3, !p4;
	[sflag:s24] =	ssyncadd.s32 @!p3 $0xFFFFF600;
	s24 =	simm.s32 @!p3 $0x9600  }
0x4b: {  	s24 =	sadd.s32 @p4 $0xAB, s23  }
0x4c: {  	s24 =	sshrl.u32 @p4 s24, $0x9  }
0x4d: {  	s24 =	sand.u32 @p4 $0x7F, s24  }
0x4e: {  	s24 =	smul.u32 @p4 $0x3, s24;
	_ =	sdelay $0x1  }
0x4f: {  	s24 =	ssub.s32 @p4 s22, s24  }
0x50: {  	s24 =	sadd.s32 @p4 $0x1, s24  }
0x51: {  	s24 =	sand.u32 @p4 $0xFF, s24  }
0x52: {  	s24 =	smul.u32 @p4 $0xC800, s24;
	_ =	sdelay $0x1  }
0x53: {  	s25 =	sshra.s32 @p4 s20, $0x2;
	s24 =	sshrl.u32 @p4 s24, $0x2  }
0x54: {  	s28 =	sadd.s32 @p4 $0x190, s25;
	s26 =	sadd.s32 @p4 $0x4E20, s24  }
0x55: {  	[tilespmem:s26], [sflag:$0x1] =	stream.indirect.gather @p4 [hbm4b:s4+s21], $0x20, s28, s21, $0xb8;
	[tilespmem:$0x13420] =	vst v63  }
0x56: {  	s26 =	sadd.s32 @p4 $0x5820, s24;
	s28 =	sadd.s32 @p4 $0x1E0, s25  }
0x57: {  	[tilespmem:s26], [sflag:$0x1] =	stream.indirect.gather @p4 [hbm4b:s4+s21], $0x20, s28, s21, $0xb8;
	[tilespmem:$0x13420] =	vst v63  }
0x58: {  	s26 =	sadd.s32 @p4 $0x6220, s24;
	s28 =	sadd.s32 @p4 $0x230, s25  }
0x59: {  	[tilespmem:s26], [sflag:$0x1] =	stream.indirect.gather @p4 [hbm4b:s4+s21], $0x20, s28, s21, $0xb8;
	[tilespmem:$0x13420] =	vst v63  }
0x5a: {  	s26 =	sadd.s32 @p4 $0x6C20, s24;
	s28 =	sadd.s32 @p4 $0x280, s25  }
0x5b: {  	[tilespmem:s26], [sflag:$0x1] =	stream.indirect.gather @p4 [hbm4b:s4+s21], $0x20, s28, s21, $0xb8;
	[tilespmem:$0x13420] =	vst v63  }
0x5c: {  	s24 =	sadd.s32 @p4 $0x7620, s24;
	s25 =	sadd.s32 @p4 $0x2D0, s25  }
0x5d: {  	[tilespmem:s24], [sflag:$0x1] =	stream.indirect.gather @p4 [hbm4b:s4+s21], $0x20, s25, s21, $0xb8;
	[tilespmem:$0x13420] =	vst v63  }
0x5e: {  	_ =	swait.ge [sflag:s31], $0xA00  }
0x5f: {  	[sflag:s31] =	ssyncset.done $0x0  }
0x60: {  	[sflag:s31] =	ssyncadd.s32 $0xFFFFF600  }
0x61: {  	_ =	swait.ge [sflag:s31], $0xA00  }
0x62: {  	[sflag:s31] =	ssyncset.done $0x0  }
0x63: {  	s23 =	sshrl.u32 s23, $0x9;
	[sflag:s31] =	ssyncadd.s32 $0xFFFFF600  }
0x64: {  	s23 =	sand.u32 $0x7F, s23;
	_ =	swait.ge [sflag:s31], $0xA00  }
0x65: {  	s23 =	smul.u32 $0x3, s23;
	[sflag:s31] =	ssyncset.done $0x0  }
0x66: {  	[sflag:s31] =	ssyncadd.s32 $0xFFFFF600  }
0x67: {  	s23 =	ssub.s32 s22, s23;
	_ =	swait.ge [sflag:s31], $0xA00  }
0x68: {  	s23 =	sand.u32 $0xFF, s23;
	[sflag:s31] =	ssyncset.done $0x0  }
0x69: {  	s23 =	smul.u32 $0xC800, s23;
	[sflag:s31] =	ssyncadd.s32 $0xFFFFF600  }
0x6a: {  	s24 =	smov.u32 @p4 s20;
	_ =	swait.ge [sflag:s31], $0xA00  }
0x6b: {  	s23 =	sshrl.u32 s23, $0x2;
	s24 =	sshra.s32 s24, $0x2;
	[sflag:s31] =	ssyncset.done $0x0  }
0x6c: {  	s26 =	sadd.s32 $0x4E20, s23;
	s28 =	sadd.s32 $0x2710, s24;
	[sflag:s31] =	ssyncadd.s32 $0xFFFFF600  }
0x6d: {  	[spmem:s2] =	stream.indirect.scatter.add.f32 [tilespmem:s26], [sflag:$0x2], $0x20, s28, s21, $0xb8;
	[tilespmem:$0x13420] =	vst v63  }
0x6e: {  	s20 =	sadd.s32 $0x640, s20;
	s26 =	sadd.s32 $0x5820, s23;
	s28 =	sadd.s32 $0x2760, s24  }
0x6f: {  	[spmem:s2] =	stream.indirect.scatter.add.f32 [tilespmem:s26], [sflag:$0x2], $0x20, s28, s21, $0xb8;
	[tilespmem:$0x13420] =	vst v63  }
0x70: {  	p3 =	sne.s32 s20, $0x9C40;
	s26 =	sadd.s32 $0x6220, s23;
	s28 =	sadd.s32 $0x27B0, s24  }
0x71: {  	[spmem:s2] =	stream.indirect.scatter.add.f32 [tilespmem:s26], [sflag:$0x2], $0x20, s28, s21, $0xb8;
	[tilespmem:$0x13420] =	vst v63  }
.Ltmp0:
0x72: {  	_ = 	snop;
	(pc) =	sbr.rel @p3 .LBB2_2-.Ltmp0, $4  }
0x73: {  	s26 =	sadd.s32 $0x6C20, s23;
	s28 =	sadd.s32 $0x2800, s24  }
0x74: {  	[spmem:s2] =	stream.indirect.scatter.add.f32 [tilespmem:s26], [sflag:$0x2], $0x20, s28, s21, $0xb8;
	[tilespmem:$0x13420] =	vst v63  }
0x75: {  	s22 =	sadd.s32 $0x1, s22;
	s23 =	sadd.s32 $0x7620, s23;
	s24 =	sadd.s32 $0x2850, s24  }
0x76: {  	[spmem:s2] =	stream.indirect.scatter.add.f32 [tilespmem:s23], [sflag:$0x2], $0x20, s24, s21, $0xb8;
	[tilespmem:$0x13420] =	vst v63  }
0x77: {  	_ =	swait.ge [sflag:s1], $0xA00  }
0x78: {  	[sflag:s1] =	ssyncset.done $0x0  }
0x79: {  	[sflag:s1] =	ssyncadd.s32 $0xFFFFF600  }
0x7a: {  	_ =	swait.ge [sflag:s1], $0xA00  }
0x7b: {  	[sflag:s1] =	ssyncset.done $0x0  }
0x7c: {  	[sflag:s1] =	ssyncadd.s32 $0xFFFFF600  }
0x7d: {  	_ =	swait.ge [sflag:s1], $0xA00  }
0x7e: {  	[sflag:s1] =	ssyncset.done $0x0  }
0x7f: {  	[sflag:s1] =	ssyncadd.s32 $0xFFFFF600  }
0x80: {  	_ =	swait.ge [sflag:s1], $0xA00  }
0x81: {  	[sflag:s1] =	ssyncset.done $0x0  }
0x82: {  	[sflag:s1] =	ssyncadd.s32 $0xFFFFF600  }
0x83: {  	_ =	swait.ge [sflag:s1], $0xA00  }
0x84: {  	[sflag:s1] =	ssyncset.done $0x0  }
0x85: {  	[sflag:s1] =	ssyncadd.s32 $0xFFFFF600  }
0x86: {  	_ =	swait.ge [sflag:s1], $0xA00  }
0x87: {  	[sflag:s1] =	ssyncset.done $0x0  }
0x88: {  	[sflag:s1] =	ssyncadd.s32 $0xFFFFF600  }
0x89: {  	_ =	swait.ge [sflag:s1], $0xA00  }
0x8a: {  	[sflag:s1] =	ssyncset.done $0x0  }
0x8b: {  	[sflag:s1] =	ssyncadd.s32 $0xFFFFF600  }
0x8c: {  	_ =	swait.ge [sflag:s1], $0xA00  }
0x8d: {  	[sflag:s1] =	ssyncset.done $0x0  }
0x8e: {  	[sflag:s1] =	ssyncadd.s32 $0xFFFFF600  }
0x8f: {  	_ =	swait.ge [sflag:s1], $0xA00  }
0x90: {  	[sflag:s1] =	ssyncset.done $0x0  }
0x91: {  	[sflag:s1] =	ssyncadd.s32 $0xFFFFF600  }
0x92: {  	s20 =	stileid.u32;
	_ =	swait.ge [sflag:s1], $0xA00  }
0x93: {  	s22 =	sshrl.u32 s7, $0x3;
	s0 =	sadd.s32 $0x1, s0;
	[sflag:s1] =	ssyncset.done $0x0  }
0x94: {  	s20 =	sshll.u32 s20, $0x6;
	p3 =	sne.s32 s0, s12;
	[sflag:s1] =	ssyncadd.s32 $0xFFFFF600  }
.Ltmp1:
0x95: {  	s20 =	sor.u32 $0x1C03, s20;
	[bflag:$0x0] =	sbarrier.arrive $0xFFFF;
	(pc) =	sbr.rel @p3 .LBB2_1-.Ltmp1, $4  }
0x96: {  	[hbm:s11], [sflag:s20] =	dma.local [spmem:s22], $0xA00  }
0x97: {  	_ =	swait.ge [sflag:s19], $0xA00  }
0x98: {  	[sflag:s19] =	ssyncset.done $0x0  }
0x99: {  	[sflag:s19] =	ssyncadd.s32 $0xFFFFF600  }
0x9a: {  	_ =	sfence.sel $0x180000  }
0x9b: {  	[bflag:$0x0] =	sbarrier.arrive $0xFFFF  }
0x9c: {  	_ =	strace $0x9000004A  }
0x9d: {  	s0 =	stileid.u32;
	[bflag:$0x2] =	sbarrier.arrive $0xFFFF  }
0x9e: {  	p0 =	sne.s32 s0, $0x0;
	s0 =	rddreg [dreg:$0x2]  }
0x9f: {  	s0 =	sadd.s32 @!p0 $0x100000, s0  }
0xa0: {  	[sflag:s0] =	ssyncadd.tile.s32 @!p0 $0x1;
	_ =	shalt  }
.Lfunc_end2:
_tile_overlayer_lowered:
.L_overlay_start_2:
0xa1: {  	(tag) =	ssettag $0x2  }
0xa2: {  	s0 =	rddreg [dreg:$0x0];
	s2 =	stileid.u32  }
0xa3: {  	s1 =	rddreg [dreg:$0x1];
	p0 =	sne.s32 s2, $0x0  }
0xa4: {  	s3 =	rddreg [dreg:$0x2];
	[bflag:$0x3] =	sbarrier.arrive $0xFFFF;
	s2 =	simm.s32 @!p0 $0x1C03  }
0xa5: {  	[timem:s3], [sflag:s2] =	dma.local @!p0 [hbm:s0], s1  }
0xa6: {  	s0 =	simm.s32 @!p0 $0x3  }
0xa7: {  	_ =	swait.ge @!p0 [sflag:s0], s1  }
0xa8: {  	s1 =	ssub.s32 @!p0 $0x0, s1;
	[sflag:s0] =	ssyncset.done @!p0 $0x0  }
0xa9: {  	[sflag:s0] =	ssyncadd.s32 @!p0 s1  }
0xaa: {  	[bflag:$0x3] =	sbarrier.arrive $0xFFFF  }
0xab: {  	_ =	shalt  }

// kernel: kernel.14.cloned.1.call-start
scs
__scs_entry_jumppad:
0x0: {  	(pc) =	sbr.rel $0x88, $3  }
0x1: {  	(tag) =	ssettag $0x0;
	lr =	simm.s32 $0x1  }
0x2: {  	[smem:$0x3F9B] =	sst lr;
	_ =	strace $0xD0000000  }
0x3: {  	_ = 	snop  }
0x4: {  	_ = 	snop  }
0x5: {  	_ = 	snop  }
0x6: {  	_ = 	snop  }
0x7: {  	_ = 	snop  }
__scs_overlays_trampoline_lowered:
0x8: {  	[smem:$0x3FAA] =	sst s0  }
0x9: {  	[smem:$0x3FAB] =	sst s1  }
0xa: {  	[smem:$0x3FAC] =	sst s2  }
0xb: {  	[smem:$0x3FAD] =	sst s3  }
0xc: {  	[smem:$0x3FAE] =	sst s4  }
0xd: {  	[smem:$0x3FAF] =	sst s5  }
0xe: {  	[smem:$0x3FB0] =	sst s6  }
0xf: {  	[smem:$0x3FB1] =	sst s7  }
0x10: {  	[smem:$0x3FB2] =	sst s8  }
0x11: {  	[smem:$0x3FB3] =	sst s9;
	s0 =	simm.s32 @!p0 $0x0  }
0x12: {  	s1 =	sld [smem:$0x3F99];
	s0 =	simm.s32 @p0 $0x1  }
0x13: {  	[smem:$0x3FB4] =	sst s0;
	s0 =	simm.s32 @!p1 $0x0  }
0x14: {  	s2 =	sld [smem:$0x3F98];
	s0 =	simm.s32 @p1 $0x1  }
0x15: {  	[smem:$0x3FB5] =	sst s0;
	s0 =	simm.s32 @!p2 $0x0  }
0x16: {  	s3 =	sld [smem:$0x3FDB];
	s0 =	simm.s32 @p2 $0x1  }
0x17: {  	s4 =	simm.s32 $0x1BF5;
	[smem:$0x3FB7] =	sst s0  }
0x18: {  	s0 =	sld [smem:$0x3F9A];
	_ =	swait.ge [sflag:s4], $0x0  }
0x19: {  	s7 =	sld [smem:$0x3F9B]  }
0x1a: {  	s8 =	sadd.s32 $0xFFFFE003, lr  }
0x1b: {  	s9 =	sadd.s32 $0xFFFFFEF7, lr;
	s5 =	simm.s32 $0xFFFFFFFF;
	p2 =	slt.u32 s8, $0xFFFFF086  }
0x1c: {  	p1 =	slt.u32 s9, $0xF7A;
	s5 =	simm.s32 @!p2 $0x0  }
0x1d: {  	s5 =	simm.s32 @p1 $0x1;
	p0 =	seq.s32 s7, s2  }
0x1e: {  	s7 =	smul.u32 @!p0 $0xF7A, s2;
	p2 =	seq.s32 @!p0 s5, $0x0  }
0x1f: {  	s9 =	smul.u32 $0xF7A, s1;
	s8 =	simm.s32 @!p0 $0x1BF5;
	p2 =	por !p2, p0  }
0x20: {  	[sflag:s8] =	ssyncset.s32 @!p0 $0xFFFFF086;
	s6 =	sadd.s32 @!p0 s3, s7;
	s7 =	simm.s32 @!p0 $0x108  }
0x21: {  	s3 =	sadd.s32 s3, s9;
	s6 =	sadd.s32 @!p0 $0x88, s6;
	s7 =	simm.s32 @p2 $0x1082  }
0x22: {  	[simem:s7], [sflag:s8] =	dma.local @!p0 [hbm:s6], $0xF7A  }
0x23: {  	s9 =	sor.u32 $0xD0000000, s2;
	s6 =	simm.s32 $0x108;
	_ =	swait.ge @!p0 [sflag:s8], $0x0  }
0x24: {  	s3 =	sadd.s32 $0x88, s3;
	s6 =	simm.s32 @!p1 $0x1082;
	[sflag:s4] =	ssyncset.s32 $0xFFFFF086  }
0x25: {  	[simem:s6], [sflag:s4] =	dma.local [hbm:s3], $0xF7A  }
0x26: {  	[smem:$0x3F9B] =	sst s1;
	(tag) =	ssettag s2;
	_ =	strace s9  }
0x27: {  	s1 =	sld [smem:$0x3FAB]  }
0x28: {  	s2 =	sld [smem:$0x3FAC]  }
0x29: {  	s4 =	sld [smem:$0x3FAE]  }
0x2a: {  	p0 =	seq.s32 s5, $0x0;
	s5 =	sld [smem:$0x3FAF]  }
0x2b: {  	s6 =	sld [smem:$0x3FB0]  }
0x2c: {  	s7 =	sld [smem:$0x3FB1]  }
0x2d: {  	s3 =	simm.s32 $0x108;
	s8 =	sld [smem:$0x3FB2]  }
0x2e: {  	s3 =	simm.s32 @!p0 $0x1082;
	s9 =	sld [smem:$0x3FB3]  }
0x2f: {  	lr =	sadd.s32 s0, s3;
	s0 =	sld [smem:$0x3FAA]  }
0x30: {  	s3 =	sld [smem:$0x3FAD]  }
0x31: {  	[smem:$0x3FB6] =	sst s10  }
0x32: {  	s10 =	sld [smem:$0x3FB4];
	_ =	sdelay $0x3  }
0x33: {  	p0 =	seq.s32 s10, $0x1;
	s10 =	sld [smem:$0x3FB6];
	_ =	sdelay $0x3  }
0x34: {  	[smem:$0x3FB6] =	sst s10  }
0x35: {  	s10 =	sld [smem:$0x3FB5];
	_ =	sdelay $0x3  }
0x36: {  	p1 =	seq.s32 s10, $0x1;
	s10 =	sld [smem:$0x3FB6];
	_ =	sdelay $0x3  }
0x37: {  	[smem:$0x3FB6] =	sst s10  }
0x38: {  	s10 =	sld [smem:$0x3FB7]  }
0x39: {  	_ = 	snop;
	(pc) =	sbr.ind lr, $3  }
0x3a: {  	_ = 	snop  }
0x3b: {  	_ = 	snop  }
0x3c: {  	p2 =	seq.s32 s10, $0x1;
	s10 =	sld [smem:$0x3FB6]  }
0x3d: {  	_ =	shalt  }
0x3e: {  	_ =	shalt  }
0x3f: {  	_ =	shalt  }
0x40: {  	_ =	shalt  }
0x41: {  	_ =	shalt  }
0x42: {  	_ =	shalt  }
0x43: {  	_ =	shalt  }
0x44: {  	_ =	shalt  }
0x45: {  	_ =	shalt  }
0x46: {  	_ =	shalt  }
0x47: {  	_ =	shalt  }
0x48: {  	_ =	shalt  }
0x49: {  	_ =	shalt  }
0x4a: {  	_ =	shalt  }
0x4b: {  	_ =	shalt  }
0x4c: {  	_ =	shalt  }
0x4d: {  	_ =	shalt  }
0x4e: {  	_ =	shalt  }
0x4f: {  	_ =	shalt  }
0x50: {  	_ =	shalt  }
0x51: {  	_ =	shalt  }
0x52: {  	_ =	shalt  }
0x53: {  	_ =	shalt  }
0x54: {  	_ =	shalt  }
0x55: {  	_ =	shalt  }
0x56: {  	_ =	shalt  }
0x57: {  	_ =	shalt  }
0x58: {  	_ =	shalt  }
0x59: {  	_ =	shalt  }
0x5a: {  	_ =	shalt  }
0x5b: {  	_ =	shalt  }
0x5c: {  	_ =	shalt  }
0x5d: {  	_ =	shalt  }
0x5e: {  	_ =	shalt  }
0x5f: {  	_ =	shalt  }
0x60: {  	_ =	shalt  }
0x61: {  	_ =	shalt  }
0x62: {  	_ =	shalt  }
0x63: {  	_ =	shalt  }
0x64: {  	_ =	shalt  }
0x65: {  	_ =	shalt  }
0x66: {  	_ =	shalt  }
0x67: {  	_ =	shalt  }
0x68: {  	_ =	shalt  }
0x69: {  	_ =	shalt  }
0x6a: {  	_ =	shalt  }
0x6b: {  	_ =	shalt  }
0x6c: {  	_ =	shalt  }
0x6d: {  	_ =	shalt  }
0x6e: {  	_ =	shalt  }
0x6f: {  	_ =	shalt  }
0x70: {  	_ =	shalt  }
0x71: {  	_ =	shalt  }
0x72: {  	_ =	shalt  }
0x73: {  	_ =	shalt  }
0x74: {  	_ =	shalt  }
0x75: {  	_ =	shalt  }
0x76: {  	_ =	shalt  }
0x77: {  	_ =	shalt  }
0x78: {  	_ =	shalt  }
0x79: {  	_ =	shalt  }
0x7a: {  	_ =	shalt  }
0x7b: {  	_ =	shalt  }
0x7c: {  	_ =	shalt  }
0x7d: {  	_ =	shalt  }
0x7e: {  	_ =	shalt  }
0x7f: {  	_ =	shalt  }
0x80: {  	_ =	shalt  }
0x81: {  	_ =	shalt  }
0x82: {  	_ =	shalt  }
0x83: {  	_ =	shalt  }
0x84: {  	_ =	shalt  }
0x85: {  	_ =	shalt  }
0x86: {  	_ =	shalt  }
0x87: {  	_ =	shalt  }
.Lfunc_end0:
.L_simem_size_0:
called_computation.2_lowered:
.L_overlay_start_0:
0x88: {  	s2 =	sld [smem:$0x3FD9]  }
0x89: {  	s3 =	sld [smem:$0x3FFE];
	_ =	sdelay $0x1  }
0x8a: {  	s1 =	srdreg.scid  }
0x8b: {  	s0 =	sand.u32 $0x1, s1  }
0x8c: {  	s17 =	sshll.u32 s0, $0xA;
	s2 =	sadd.s32 s3, s2  }
0x8d: {  	s2 =	sadd.s32 s2, s17  }
0x8e: {  	[smem:$0x3FC2] =	sst s2  }
0x8f: {  	_ = 	snop  }
0x90: {  	s2 =	sld [smem:$0x3FD0];
	(tm) =	ssettm $0x1  }
0x91: {  	s18 =	sld [smem:$0x3FFB];
	_ =	sdelay $0x3  }
0x92: {  	_ =	strace s18  }
0x93: {  	s3 =	sld [smem:$0x3FFC];
	_ =	sdelay $0x3  }
0x94: {  	_ =	strace s3  }
0x95: {  	s3 =	sld [smem:$0x3FFD];
	_ =	sdelay $0x3  }
0x96: {  	_ =	strace s3  }
0x97: {  	_ =	strace $0x8FFFFFFF  }
0x98: {  	s19 =	sld [smem:$0x3FDB];
	_ =	sdelay $0x1  }
0x99: {  	s4 =	simm.s32 $_scs_section_size  }
0x9a: {  	s5 =	simm.s32 $_size__tile_overlayer_lowered;
	s6 =	simm.s32 $_tile_overlayer_lowered  }
0x9b: {  	s22 =	simm.s32 $0x1BFF;
	s21 =	sshll.u32 s6, $0x1;
	s3 =	sadd.s32 s4, s19  }
0x9c: {  	s7 =	simm.s32 $0x0;
	s20 =	sshll.u32 s5, $0x1;
	s5 =	sadd.s32 s21, s3  }
0x9d: {  	[timem:s7], [sflag:s22] =	dma.local [hbm:s5], s20  }
0x9e: {  	_ =	swait.ge [sflag:s22], s20  }
0x9f: {  	s4 =	ssub.s32 $0x0, s20;
	[sflag:s22] =	ssyncset.done $0x0  }
0xa0: {  	[sflag:s22] =	ssyncadd.s32 s4;
	_ =	sdelay $0x1  }
0xa1: {  	s23 =	simm.s32 $0x1B8B  }
0xa2: {  	_ =	swait.ge [sflag:s23], $0x1  }
0xa3: {  	[sflag:s23] =	ssyncset.done $0x0  }
0xa4: {  	s25 =	simm.s32 $0x1B8E;
	s24 =	sld [smem:$0x3FFE];
	[sflag:s23] =	ssyncadd.s32 $0xFFFFFFFF  }
0xa5: {  	s26 =	simm.s32 $execute0_lowered;
	[smem:$0x3FD2] =	sst s25  }
0xa6: {  	s5 =	sshll.u32 s26, $0x1;
	_ =	strace $0x8000004C;
	[dreg:$0x1] =	wrdreg $0xFFFFFFFF  }
0xa7: {  	s28 =	simm.s32 $_size_execute0_lowered;
	s3 =	sadd.s32 s3, s5;
	[dreg:$0x0] =	wrdreg $0x0  }
0xa8: {  	s5 =	sshll.u32 s28, $0x1;
	[dreg:$0x2] =	wrdreg s3  }
0xa9: {  	[dreg:$0x3] =	wrdreg s5  }
0xaa: {  	[dreg:$0x4] =	wrdreg $0xC0  }
0xab: {  	_ =	task [dreg:s7], $0x5FFFF  }
0xac: {  	[dreg:$0x1] =	wrdreg $0xFFFFFFFF  }
0xad: {  	[dreg:$0x0] =	wrdreg $0x60  }
0xae: {  	[dreg:$0x2] =	wrdreg s2  }
0xaf: {  	[dreg:$0x3] =	wrdreg s24  }
0xb0: {  	[dreg:$0x4] =	wrdreg $0x9D300  }
0xb1: {  	[dreg:$0x5] =	wrdreg $0x9  }
0xb2: {  	_ =	task.clear_ibuf [dreg:s7], $0x6FFFF;
	_ =	strace $0x9000004C  }
0xb3: {  	s29 =	simm.s32 $0x9;
	_ =	strace $0x8000004E  }
0xb4: {  	_ =	swait.ge [sflag:s29], $0x1  }
0xb5: {  	[sflag:s29] =	ssyncadd.s32 $0xFFFFFFFF  }
0xb6: {  	_ =	strace $0x9000004E  }
0xb7: {  	_ =	sfence  }
0xb8: {  	s30 =	sld [smem:$0x0];
	_ =	sdelay $0x2  }
0xb9: {  	s31 =	sshll.u32 s1, $0xD;
	s1 =	sshrl.u32 s1, $0x2  }
0xba: {  	s3 =	sand.u32 $0x4000, s31;
	s1 =	sadd.s32 s1, s30  }
0xbb: {  	s0 =	sor.u32 s3, s0;
	s1 =	sshll.u32 s1, $0x11  }
0xbc: {  	s0 =	sor.u32 s1, s0  }
0xbd: {  	s0 =	sadd.s32 $0x8F2B, s0  }
0xbe: {  	[sflag:s0] =	ssyncadd.remote.s32 $0x1  }
0xbf: {  	_ =	sfence.sel $0xFFFF  }
0xc0: {  	[dreg:$0x0] =	wrdreg $0xFFFFFFFF;
	(pc) =	sbr.abs _section_cstart, $3  }
0xc1: {  	[dreg:$0x1] =	wrdreg $0xFFFFFFFF  }
0xc2: {  	_ =	task.clear_ibuf [dreg:s7], $0x2FFFF;
	_ =	strace $0x9FFFFFFF  }
0xc3: {  	(tm) =	ssettm $0x7FFFFFFF  }
tec
execute0_lowered:
.L_overlay_start_1:
0x0: {  	(tag) =	ssettag $0x1  }
0x1: {  	s2 =	rddreg [dreg:$0x0]  }
0x2: {  	s6 =	rddreg [dreg:$0x1]  }
0x3: {  	s0 =	srdreg.scid;
	s3 =	rddreg [dreg:$0x2];
	s4 =	simm.s32 $0x0  }
0x4: {  	s14 =	simm.s32 $0x2710;
	s15 =	simm.s32 $0x50;
	s16 =	simm.s32 $0x1  }
0x5: {  	s17 =	simm.s32 $0x0;
	s5 =	sand.u32 $0x1, s0;
	s0 =	stileid.u32  }
0x6: {  	[smem:$0x7FF] =	sst s4;
	s1 =	sshll.u32 s5, $0x4;
	s8 =	smul.u32 $0x280, s0  }
0x7: {  	s9 =	smul.u32 $0x2800, s5;
	s29 =	ssub.s32 $0x2, s5;
	s5 =	sadd.s32 $0x15A00, s6  }
0x8: {  	s31 =	sshll.u32 s0, $0x6;
	s1 =	sor.u32 s0, s1;
	s30 =	sshrl.u32 s29, $0x1  }
0x9: {  	s7 =	smul.u32 $0x2710, s1;
	s1 =	rddreg [dreg:$0x3];
	s9 =	sadd.s32 s8, s9  }
0xa: {  	_ =	strace $0x8000004D;
	s12 =	ssub.s32 s29, s30;
	s28 =	sshrl.u32 s9, $0x3  }
0xb: {  	s13 =	sadd.s32 s8, s3;
	s7 =	sshrl.u32 s7, $0x3;
	s11 =	sadd.s32 s28, s6  }
0xc: {  	s10 =	sadd.s32 s7, s6;
	s6 =	sor.u32 $0x1C02, s31;
	s9 =	sadd.s32 $0x15C00, s11  }
0xd: {  	s11 =	sshrl.u32 s13, $0x3;
	s13 =	simm.s32 $0x4E20;
	s7 =	sadd.s32 $0x2000, s10  }
0xe: {  	s8 =	sadd.s32 $0xBC40, s10;
	s10 =	smax.u32 s12, $0x1;
	s12 =	simm.s32 $0x2  }
.LBB2_1:
0xf: {  	[spmem:s11], [sflag:s6] =	dma.local [hbm:s5], $0x50  }
0x10: {  	_ =	swait.ge [sflag:s12], $0x50  }
0x11: {  	[sflag:s12] =	ssyncset.done $0x0  }
0x12: {  	[sflag:s12] =	ssyncadd.s32 $0xFFFFFFB0  }
0x13: {  	[tilespmem:s13], [sflag:$0x2] =	stream.linear.gather [hbm4b:s2+s4], $0x2800, $0x38;
	[tilespmem:$0x9FB0] =	vst v63  }
0x14: {  	_ =	swait.ge [sflag:s12], $0x2800  }
0x15: {  	[sflag:s12] =	ssyncset.done $0x0  }
0x16: {  	[sflag:s12] =	ssyncadd.s32 $0xFFFFD800  }
0x17: {  	[tilespmem:s4], [sflag:$0x2] =	stream.linear.gather [hbm4b:s7+s4], $0x2710, $0x38;
	[tilespmem:$0x9FB0] =	vst v63  }
0x18: {  	_ =	swait.ge [sflag:s12], $0x2710  }
0x19: {  	[sflag:s12] =	ssyncset.done $0x0  }
0x1a: {  	[sflag:s12] =	ssyncadd.s32 $0xFFFFD8F0  }
0x1b: {  	[tilespmem:s14], [sflag:$0x2] =	stream.linear.gather [hbm4b:s8+s4], $0x2710, $0x38;
	[tilespmem:$0x9FB0] =	vst v63  }
0x1c: {  	_ =	swait.ge [sflag:s12], $0x2710  }
0x1d: {  	[sflag:s12] =	ssyncset.done $0x0  }
0x1e: {  	[sflag:s12] =	ssyncadd.s32 $0xFFFFD8F0  }
0x1f: {  	s18 =	simm.s32 $0x0;
	[bflag:$0x0] =	sbarrier.arrive $0xFFFF  }
0x20: {  	s19 =	simm.s32 $0x140;
	v0 =	vld [tilespmem:s18+$0x0]  }
.LBB2_2:
0x21: {  	p0 =	sne.s32 s19, $0x9B00;
	_ =	sdelay $0x5  }
0x22: {  	v1 =	vld [tilespmem:s18+$0x10]  }
0x23: {  	v0 =	vld.idx.msk [tilespmem:v0+s13+$0x0], $0xffff;
	_ =	sdelay $0x5  }
0x24: {  	[tilespmem:s18+$0x7620] =	vst v0;
	v0 =	vld [tilespmem:s18+$0x20]  }
0x25: {  	v1 =	vld.idx.msk [tilespmem:v1+s13+$0x0], $0xffff;
	_ =	sdelay $0x5  }
0x26: {  	[tilespmem:s18+$0x7630] =	vst v1;
	v1 =	vld [tilespmem:s18+$0x30]  }
0x27: {  	v0 =	vld.idx.msk [tilespmem:v0+s13+$0x0], $0xffff;
	_ =	sdelay $0x5  }
0x28: {  	[tilespmem:s18+$0x7640] =	vst v0;
	v0 =	vld [tilespmem:s18+$0x40]  }
0x29: {  	v1 =	vld.idx.msk [tilespmem:v1+s13+$0x0], $0xffff;
	_ =	sdelay $0x5  }
0x2a: {  	[tilespmem:s18+$0x7650] =	vst v1  }
0x2b: {  	v0 =	vld.idx.msk [tilespmem:v0+s13+$0x0], $0xffff;
	_ =	sdelay $0x2  }
.Ltmp0:
0x2c: {  	(pc) =	sbr.rel @p0 .LBB2_2-.Ltmp0, $4  }
0x2d: {  	_ = 	snop  }
0x2e: {  	s20 =	sshra.s32 s19, $0x2;
	s21 =	sadd.s32 $0x7620, s18;
	s22 =	sadd.s32 $0x2710, s18  }
0x2f: {  	[tilespmem:s18+$0x7660] =	vst v0;
	[spmem:s3] =	stream.indirect.scatter.add.f32 [tilespmem:s21], [sflag:$0x1], $0x1, s22, s15, $0xb8  }
0x30: {  	s19 =	sadd.s32 $0x140, s19;
	s18 =	smov.u32 s20;
	v0 =	vld [tilespmem:s20+$0x0]  }
0x31: {  	_ =	sdelay $0x5  }
0x32: {  	v1 =	vld [tilespmem:s18+$0x10];
	_ =	sdelay $0x1  }
0x33: {  	v0 =	vld.idx.msk [tilespmem:v0+s13+$0x0], $0xffff;
	_ =	sdelay $0x3  }
0x34: {  	v61 =	vld [tilespmem:s18+$0x20]  }
0x35: {  	[tilespmem:s18+$0x7620] =	vst v0  }
0x36: {  	v1 =	vld.idx.msk [tilespmem:v1+s13+$0x0], $0xffff;
	_ =	sdelay $0x3  }
0x37: {  	v62 =	vld [tilespmem:s18+$0x30]  }
0x38: {  	[tilespmem:s18+$0x7630] =	vst v1  }
0x39: {  	v0 =	vld.idx.msk [tilespmem:v61+s13+$0x0], $0xffff;
	_ =	sdelay $0x3  }
0x3a: {  	v63 =	vld [tilespmem:s18+$0x40]  }
0x3b: {  	[tilespmem:s18+$0x7640] =	vst v0  }
0x3c: {  	v1 =	vld.idx.msk [tilespmem:v62+s13+$0x0], $0xffff;
	_ =	sdelay $0x4  }
0x3d: {  	[tilespmem:s18+$0x7650] =	vst v1  }
0x3e: {  	v0 =	vld.idx.msk [tilespmem:v63+s13+$0x0], $0xffff;
	_ =	sdelay $0x4  }
0x3f: {  	s19 =	sadd.s32 $0x7620, s18;
	s20 =	sadd.s32 $0x2710, s18;
	[tilespmem:s18+$0x7660] =	vst v0  }
0x40: {  	[spmem:s3] =	stream.indirect.scatter.add.f32 [tilespmem:s19], [sflag:$0x1], $0x1, s20, s15, $0xb8;
	[tilespmem:$0x9FB0] =	vst v63  }
0x41: {  	_ =	swait.ge [sflag:s16], $0x50  }
0x42: {  	s18 =	simm.s32 $0x7C;
	[sflag:s16] =	ssyncset.done $0x0  }
.LBB2_4:
0x43: {  	p0 =	sne.s32 s18, $0x1;
	s18 =	sadd.s32 $0xFFFFFFFF, s18;
	[sflag:s16] =	ssyncadd.s32 $0xFFFFFFB0  }
.Ltmp1:
0x44: {  	(pc) =	sbr.rel @p0 .LBB2_4-.Ltmp1, $3  }
0x45: {  	_ =	sdelay $0x1  }
0x46: {  	_ =	swait.ge [sflag:s16], $0x50  }
0x47: {  	[sflag:s16] =	ssyncset.done $0x0  }
0x48: {  	s17 =	sadd.s32 $0x1, s17  }
0x49: {  	[sflag:s16] =	ssyncadd.s32 $0xFFFFFFB0;
	p0 =	sne.s32 s17, s10  }
.Ltmp2:
0x4a: {  	[bflag:$0x0] =	sbarrier.arrive $0xFFFF;
	(pc) =	sbr.rel @p0 .LBB2_1-.Ltmp2, $4  }
0x4b: {  	[hbm:s9], [sflag:s6] =	dma.local [spmem:s11], $0x50  }
0x4c: {  	_ =	swait.ge [sflag:s12], $0x50  }
0x4d: {  	[sflag:s12] =	ssyncset.done $0x0  }
0x4e: {  	[sflag:s12] =	ssyncadd.s32 $0xFFFFFFB0  }
0x4f: {  	_ =	sfence.sel $0x180000  }
0x50: {  	[bflag:$0x0] =	sbarrier.arrive $0xFFFF  }
0x51: {  	p0 =	sne.s32 s0, $0x0;
	_ =	strace $0x9000004D  }
0x52: {  	s0 =	sadd.s32 @!p0 $0x100000, s1;
	[bflag:$0x2] =	sbarrier.arrive $0xFFFF  }
0x53: {  	[sflag:s0] =	ssyncadd.tile.s32 @!p0 $0x1;
	_ =	shalt  }
.Lfunc_end2:
_tile_overlayer_lowered:
.L_overlay_start_2:
0x54: {  	(tag) =	ssettag $0x2  }
0x55: {  	s0 =	rddreg [dreg:$0x0];
	s2 =	stileid.u32  }
0x56: {  	s1 =	rddreg [dreg:$0x1];
	p0 =	sne.s32 s2, $0x0  }
0x57: {  	s3 =	rddreg [dreg:$0x2];
	[bflag:$0x3] =	sbarrier.arrive $0xFFFF;
	s2 =	simm.s32 @!p0 $0x1C02  }
0x58: {  	[timem:s3], [sflag:s2] =	dma.local @!p0 [hbm:s0], s1  }
0x59: {  	s0 =	simm.s32 @!p0 $0x2  }
0x5a: {  	_ =	swait.ge @!p0 [sflag:s0], s1  }
0x5b: {  	s1 =	ssub.s32 @!p0 $0x0, s1;
	[sflag:s0] =	ssyncset.done @!p0 $0x0  }
0x5c: {  	[sflag:s0] =	ssyncadd.s32 @!p0 s1  }
0x5d: {  	[bflag:$0x3] =	sbarrier.arrive $0xFFFF  }
0x5e: {  	_ =	shalt  }

// kernel: kernel.8.cloned.1.call-start
scs
__scs_entry_jumppad:
0x0: {  	(pc) =	sbr.rel $0x88, $3  }
0x1: {  	(tag) =	ssettag $0x0;
	lr =	simm.s32 $0x1  }
0x2: {  	[smem:$0x3F9B] =	sst lr;
	_ =	strace $0xD0000000  }
0x3: {  	_ = 	snop  }
0x4: {  	_ = 	snop  }
0x5: {  	_ = 	snop  }
0x6: {  	_ = 	snop  }
0x7: {  	_ = 	snop  }
__scs_overlays_trampoline_lowered:
0x8: {  	[smem:$0x3FAA] =	sst s0  }
0x9: {  	[smem:$0x3FAB] =	sst s1  }
0xa: {  	[smem:$0x3FAC] =	sst s2  }
0xb: {  	[smem:$0x3FAD] =	sst s3  }
0xc: {  	[smem:$0x3FAE] =	sst s4  }
0xd: {  	[smem:$0x3FAF] =	sst s5  }
0xe: {  	[smem:$0x3FB0] =	sst s6  }
0xf: {  	[smem:$0x3FB1] =	sst s7  }
0x10: {  	[smem:$0x3FB2] =	sst s8  }
0x11: {  	[smem:$0x3FB3] =	sst s9;
	s0 =	simm.s32 @!p0 $0x0  }
0x12: {  	s1 =	sld [smem:$0x3F99];
	s0 =	simm.s32 @p0 $0x1  }
0x13: {  	[smem:$0x3FB4] =	sst s0;
	s0 =	simm.s32 @!p1 $0x0  }
0x14: {  	s2 =	sld [smem:$0x3F98];
	s0 =	simm.s32 @p1 $0x1  }
0x15: {  	[smem:$0x3FB5] =	sst s0;
	s0 =	simm.s32 @!p2 $0x0  }
0x16: {  	s3 =	sld [smem:$0x3FDB];
	s0 =	simm.s32 @p2 $0x1  }
0x17: {  	s4 =	simm.s32 $0x1BF5;
	[smem:$0x3FB7] =	sst s0  }
0x18: {  	s0 =	sld [smem:$0x3F9A];
	_ =	swait.ge [sflag:s4], $0x0  }
0x19: {  	s7 =	sld [smem:$0x3F9B]  }
0x1a: {  	s8 =	sadd.s32 $0xFFFFE003, lr  }
0x1b: {  	s9 =	sadd.s32 $0xFFFFFEF7, lr;
	s5 =	simm.s32 $0xFFFFFFFF;
	p2 =	slt.u32 s8, $0xFFFFF086  }
0x1c: {  	p1 =	slt.u32 s9, $0xF7A;
	s5 =	simm.s32 @!p2 $0x0  }
0x1d: {  	s5 =	simm.s32 @p1 $0x1;
	p0 =	seq.s32 s7, s2  }
0x1e: {  	s7 =	smul.u32 @!p0 $0xF7A, s2;
	p2 =	seq.s32 @!p0 s5, $0x0  }
0x1f: {  	s9 =	smul.u32 $0xF7A, s1;
	s8 =	simm.s32 @!p0 $0x1BF5;
	p2 =	por !p2, p0  }
0x20: {  	[sflag:s8] =	ssyncset.s32 @!p0 $0xFFFFF086;
	s6 =	sadd.s32 @!p0 s3, s7;
	s7 =	simm.s32 @!p0 $0x108  }
0x21: {  	s3 =	sadd.s32 s3, s9;
	s6 =	sadd.s32 @!p0 $0x88, s6;
	s7 =	simm.s32 @p2 $0x1082  }
0x22: {  	[simem:s7], [sflag:s8] =	dma.local @!p0 [hbm:s6], $0xF7A  }
0x23: {  	s9 =	sor.u32 $0xD0000000, s2;
	s6 =	simm.s32 $0x108;
	_ =	swait.ge @!p0 [sflag:s8], $0x0  }
0x24: {  	s3 =	sadd.s32 $0x88, s3;
	s6 =	simm.s32 @!p1 $0x1082;
	[sflag:s4] =	ssyncset.s32 $0xFFFFF086  }
0x25: {  	[simem:s6], [sflag:s4] =	dma.local [hbm:s3], $0xF7A  }
0x26: {  	[smem:$0x3F9B] =	sst s1;
	(tag) =	ssettag s2;
	_ =	strace s9  }
0x27: {  	s1 =	sld [smem:$0x3FAB]  }
0x28: {  	s2 =	sld [smem:$0x3FAC]  }
0x29: {  	s4 =	sld [smem:$0x3FAE]  }
0x2a: {  	p0 =	seq.s32 s5, $0x0;
	s5 =	sld [smem:$0x3FAF]  }
0x2b: {  	s6 =	sld [smem:$0x3FB0]  }
0x2c: {  	s7 =	sld [smem:$0x3FB1]  }
0x2d: {  	s3 =	simm.s32 $0x108;
	s8 =	sld [smem:$0x3FB2]  }
0x2e: {  	s3 =	simm.s32 @!p0 $0x1082;
	s9 =	sld [smem:$0x3FB3]  }
0x2f: {  	lr =	sadd.s32 s0, s3;
	s0 =	sld [smem:$0x3FAA]  }
0x30: {  	s3 =	sld [smem:$0x3FAD]  }
0x31: {  	[smem:$0x3FB6] =	sst s10  }
0x32: {  	s10 =	sld [smem:$0x3FB4];
	_ =	sdelay $0x3  }
0x33: {  	p0 =	seq.s32 s10, $0x1;
	s10 =	sld [smem:$0x3FB6];
	_ =	sdelay $0x3  }
0x34: {  	[smem:$0x3FB6] =	sst s10  }
0x35: {  	s10 =	sld [smem:$0x3FB5];
	_ =	sdelay $0x3  }
0x36: {  	p1 =	seq.s32 s10, $0x1;
	s10 =	sld [smem:$0x3FB6];
	_ =	sdelay $0x3  }
0x37: {  	[smem:$0x3FB6] =	sst s10  }
0x38: {  	s10 =	sld [smem:$0x3FB7]  }
0x39: {  	_ = 	snop;
	(pc) =	sbr.ind lr, $3  }
0x3a: {  	_ = 	snop  }
0x3b: {  	_ = 	snop  }
0x3c: {  	p2 =	seq.s32 s10, $0x1;
	s10 =	sld [smem:$0x3FB6]  }
0x3d: {  	_ =	shalt  }
0x3e: {  	_ =	shalt  }
0x3f: {  	_ =	shalt  }
0x40: {  	_ =	shalt  }
0x41: {  	_ =	shalt  }
0x42: {  	_ =	shalt  }
0x43: {  	_ =	shalt  }
0x44: {  	_ =	shalt  }
0x45: {  	_ =	shalt  }
0x46: {  	_ =	shalt  }
0x47: {  	_ =	shalt  }
0x48: {  	_ =	shalt  }
0x49: {  	_ =	shalt  }
0x4a: {  	_ =	shalt  }
0x4b: {  	_ =	shalt  }
0x4c: {  	_ =	shalt  }
0x4d: {  	_ =	shalt  }
0x4e: {  	_ =	shalt  }
0x4f: {  	_ =	shalt  }
0x50: {  	_ =	shalt  }
0x51: {  	_ =	shalt  }
0x52: {  	_ =	shalt  }
0x53: {  	_ =	shalt  }
0x54: {  	_ =	shalt  }
0x55: {  	_ =	shalt  }
0x56: {  	_ =	shalt  }
0x57: {  	_ =	shalt  }
0x58: {  	_ =	shalt  }
0x59: {  	_ =	shalt  }
0x5a: {  	_ =	shalt  }
0x5b: {  	_ =	shalt  }
0x5c: {  	_ =	shalt  }
0x5d: {  	_ =	shalt  }
0x5e: {  	_ =	shalt  }
0x5f: {  	_ =	shalt  }
0x60: {  	_ =	shalt  }
0x61: {  	_ =	shalt  }
0x62: {  	_ =	shalt  }
0x63: {  	_ =	shalt  }
0x64: {  	_ =	shalt  }
0x65: {  	_ =	shalt  }
0x66: {  	_ =	shalt  }
0x67: {  	_ =	shalt  }
0x68: {  	_ =	shalt  }
0x69: {  	_ =	shalt  }
0x6a: {  	_ =	shalt  }
0x6b: {  	_ =	shalt  }
0x6c: {  	_ =	shalt  }
0x6d: {  	_ =	shalt  }
0x6e: {  	_ =	shalt  }
0x6f: {  	_ =	shalt  }
0x70: {  	_ =	shalt  }
0x71: {  	_ =	shalt  }
0x72: {  	_ =	shalt  }
0x73: {  	_ =	shalt  }
0x74: {  	_ =	shalt  }
0x75: {  	_ =	shalt  }
0x76: {  	_ =	shalt  }
0x77: {  	_ =	shalt  }
0x78: {  	_ =	shalt  }
0x79: {  	_ =	shalt  }
0x7a: {  	_ =	shalt  }
0x7b: {  	_ =	shalt  }
0x7c: {  	_ =	shalt  }
0x7d: {  	_ =	shalt  }
0x7e: {  	_ =	shalt  }
0x7f: {  	_ =	shalt  }
0x80: {  	_ =	shalt  }
0x81: {  	_ =	shalt  }
0x82: {  	_ =	shalt  }
0x83: {  	_ =	shalt  }
0x84: {  	_ =	shalt  }
0x85: {  	_ =	shalt  }
0x86: {  	_ =	shalt  }
0x87: {  	_ =	shalt  }
.Lfunc_end0:
.L_simem_size_0:
called_computation_lowered:
.L_overlay_start_0:
0x88: {  	s2 =	sld [smem:$0x3FD9]  }
0x89: {  	s3 =	sld [smem:$0x3FFE];
	_ =	sdelay $0x1  }
0x8a: {  	s1 =	srdreg.scid  }
0x8b: {  	s0 =	sand.u32 $0x1, s1  }
0x8c: {  	s17 =	sshll.u32 s0, $0xA;
	s2 =	sadd.s32 s3, s2  }
0x8d: {  	s2 =	sadd.s32 s2, s17  }
0x8e: {  	[smem:$0x3FC2] =	sst s2  }
0x8f: {  	_ = 	snop  }
0x90: {  	s2 =	sld [smem:$0x3FD0];
	(tm) =	ssettm $0x1  }
0x91: {  	s18 =	sld [smem:$0x3FFB];
	_ =	sdelay $0x3  }
0x92: {  	_ =	strace s18  }
0x93: {  	s3 =	sld [smem:$0x3FFC];
	_ =	sdelay $0x3  }
0x94: {  	_ =	strace s3  }
0x95: {  	s3 =	sld [smem:$0x3FFD];
	_ =	sdelay $0x3  }
0x96: {  	_ =	strace s3  }
0x97: {  	_ =	strace $0x8FFFFFFF  }
0x98: {  	s19 =	sld [smem:$0x3FDB];
	_ =	sdelay $0x1  }
0x99: {  	s4 =	simm.s32 $_scs_section_size  }
0x9a: {  	s5 =	simm.s32 $_size__tile_overlayer_lowered;
	s6 =	simm.s32 $_tile_overlayer_lowered  }
0x9b: {  	s22 =	simm.s32 $0x1BFF;
	s21 =	sshll.u32 s6, $0x1;
	s3 =	sadd.s32 s4, s19  }
0x9c: {  	s7 =	simm.s32 $0x0;
	s20 =	sshll.u32 s5, $0x1;
	s5 =	sadd.s32 s21, s3  }
0x9d: {  	[timem:s7], [sflag:s22] =	dma.local [hbm:s5], s20  }
0x9e: {  	_ =	swait.ge [sflag:s22], s20  }
0x9f: {  	s4 =	ssub.s32 $0x0, s20;
	[sflag:s22] =	ssyncset.done $0x0  }
0xa0: {  	[sflag:s22] =	ssyncadd.s32 s4;
	_ =	sdelay $0x1  }
0xa1: {  	s23 =	simm.s32 $0x1B8B  }
0xa2: {  	_ =	swait.ge [sflag:s23], $0x1  }
0xa3: {  	[sflag:s23] =	ssyncset.done $0x0  }
0xa4: {  	s25 =	simm.s32 $0x1B8E;
	s24 =	sld [smem:$0x3FFE];
	[sflag:s23] =	ssyncadd.s32 $0xFFFFFFFF  }
0xa5: {  	s26 =	simm.s32 $execute0_lowered;
	[smem:$0x3FD2] =	sst s25  }
0xa6: {  	s5 =	sshll.u32 s26, $0x1;
	_ =	strace $0x80000046;
	[dreg:$0x1] =	wrdreg $0xFFFFFFFF  }
0xa7: {  	s28 =	simm.s32 $_size_execute0_lowered;
	s3 =	sadd.s32 s3, s5;
	[dreg:$0x0] =	wrdreg $0x0  }
0xa8: {  	s5 =	sshll.u32 s28, $0x1;
	[dreg:$0x2] =	wrdreg s3  }
0xa9: {  	[dreg:$0x3] =	wrdreg s5  }
0xaa: {  	[dreg:$0x4] =	wrdreg $0xC0  }
0xab: {  	_ =	task [dreg:s7], $0x5FFFF  }
0xac: {  	[dreg:$0x1] =	wrdreg $0xFFFFFFFF  }
0xad: {  	[dreg:$0x0] =	wrdreg $0x60  }
0xae: {  	[dreg:$0x2] =	wrdreg s24  }
0xaf: {  	[dreg:$0x3] =	wrdreg s2  }
0xb0: {  	[dreg:$0x4] =	wrdreg $0x27600  }
0xb1: {  	[dreg:$0x5] =	wrdreg $0x9  }
0xb2: {  	_ =	task.clear_ibuf [dreg:s7], $0x6FFFF;
	_ =	strace $0x90000046  }
0xb3: {  	s29 =	simm.s32 $0x9;
	_ =	strace $0x80000048  }
0xb4: {  	_ =	swait.ge [sflag:s29], $0x1  }
0xb5: {  	[sflag:s29] =	ssyncadd.s32 $0xFFFFFFFF  }
0xb6: {  	_ =	strace $0x90000048  }
0xb7: {  	_ =	sfence  }
0xb8: {  	s30 =	sld [smem:$0x0];
	_ =	sdelay $0x2  }
0xb9: {  	s31 =	sshll.u32 s1, $0xD;
	s1 =	sshrl.u32 s1, $0x2  }
0xba: {  	s3 =	sand.u32 $0x4000, s31;
	s1 =	sadd.s32 s1, s30  }
0xbb: {  	s0 =	sor.u32 s3, s0;
	s1 =	sshll.u32 s1, $0x11  }
0xbc: {  	s0 =	sor.u32 s1, s0  }
0xbd: {  	s0 =	sadd.s32 $0x8F2B, s0  }
0xbe: {  	[sflag:s0] =	ssyncadd.remote.s32 $0x1  }
0xbf: {  	_ =	sfence.sel $0xFFFF  }
0xc0: {  	[dreg:$0x0] =	wrdreg $0xFFFFFFFF;
	(pc) =	sbr.abs _section_cstart, $3  }
0xc1: {  	[dreg:$0x1] =	wrdreg $0xFFFFFFFF  }
0xc2: {  	_ =	task.clear_ibuf [dreg:s7], $0x2FFFF;
	_ =	strace $0x9FFFFFFF  }
0xc3: {  	(tm) =	ssettm $0x7FFFFFFF  }
tec
execute0_lowered:
.L_overlay_start_1:
0x0: {  	(tag) =	ssettag $0x1  }
0x1: {  	s7 =	rddreg [dreg:$0x0]  }
0x2: {  	s2 =	rddreg [dreg:$0x1];
	s1 =	srdreg.scid  }
0x3: {  	s0 =	stileid.u32;
	s3 =	rddreg [dreg:$0x2];
	s4 =	simm.s32 $0x0  }
0x4: {  	s13 =	simm.s32 $0x50;
	s14 =	simm.s32 $0x1;
	s15 =	simm.s32 $0x0  }
0x5: {  	s5 =	sand.u32 $0x1, s1;
	s6 =	smul.u32 $0x280, s0;
	s1 =	rddreg [dreg:$0x3]  }
0x6: {  	[smem:$0x7FF] =	sst s4;
	s31 =	sshll.u32 s0, $0x6;
	s8 =	smul.u32 $0x2800, s5  }
0x7: {  	s9 =	sshll.u32 s5, $0x4;
	_ =	strace $0x80000047;
	s10 =	ssub.s32 $0x2, s5  }
0x8: {  	s5 =	sadd.s32 $0x15A00, s7;
	s9 =	sor.u32 s0, s9;
	s11 =	sshrl.u32 s10, $0x1  }
0x9: {  	s12 =	sadd.s32 s6, s3;
	s8 =	sadd.s32 s6, s8;
	s9 =	smul.u32 $0x2710, s9  }
0xa: {  	s10 =	ssub.s32 s10, s11;
	s6 =	sor.u32 $0x1C02, s31;
	s8 =	sshrl.u32 s8, $0x3  }
0xb: {  	s11 =	simm.s32 $0x2;
	s8 =	sadd.s32 s8, s7;
	s9 =	sshrl.u32 s9, $0x3  }
0xc: {  	s7 =	sadd.s32 s7, s9;
	s8 =	sadd.s32 $0x15C00, s8;
	s9 =	smax.u32 s10, $0x1  }
0xd: {  	s10 =	sshrl.u32 s12, $0x3;
	s12 =	simm.s32 $0x2710;
	s7 =	sadd.s32 $0xBC40, s7  }
.LBB2_1:
0xe: {  	[spmem:s10], [sflag:s6] =	dma.local [hbm:s5], $0x50  }
0xf: {  	_ =	swait.ge [sflag:s11], $0x50  }
0x10: {  	[sflag:s11] =	ssyncset.done $0x0  }
0x11: {  	[sflag:s11] =	ssyncadd.s32 $0xFFFFFFB0  }
0x12: {  	[tilespmem:s12], [sflag:$0x2] =	stream.linear.gather [hbm4b:s2+s4], $0x50, $0x38;
	[tilespmem:$0x29E0] =	vst v63  }
0x13: {  	_ =	swait.ge [sflag:s11], $0x50  }
0x14: {  	[sflag:s11] =	ssyncset.done $0x0  }
0x15: {  	[sflag:s11] =	ssyncadd.s32 $0xFFFFFFB0  }
0x16: {  	[tilespmem:s4], [sflag:$0x2] =	stream.linear.gather [hbm4b:s7+s4], $0x2710, $0x38;
	[tilespmem:$0x29E0] =	vst v63  }
0x17: {  	_ =	swait.ge [sflag:s11], $0x2710  }
0x18: {  	[sflag:s11] =	ssyncset.done $0x0  }
0x19: {  	[sflag:s11] =	ssyncadd.s32 $0xFFFFD8F0  }
0x1a: {  	s16 =	simm.s32 $0x0;
	[bflag:$0x0] =	sbarrier.arrive $0xFFFF  }
.LBB2_2:
0x1b: {  	p0 =	sne.s32 s16, $0x9B00  }
.Ltmp0:
0x1c: {  	_ = 	snop;
	(pc) =	sbr.rel @p0 .LBB2_2-.Ltmp0, $3  }
0x1d: {  	_ =	sdelay $0x1  }
0x1e: {  	s17 =	sshra.s32 s16, $0x2;
	s16 =	sadd.s32 $0x140, s16  }
0x1f: {  	[spmem:s3] =	stream.indirect.scatter.add.f32 [tilespmem:s12], [sflag:$0x1], $0x1, s17, s13, $0xb8;
	[tilespmem:$0x29E0] =	vst v63  }
0x20: {  	_ =	swait.ge [sflag:s14], $0x50  }
0x21: {  	s16 =	simm.s32 $0x7C;
	[sflag:s14] =	ssyncset.done $0x0  }
.LBB2_4:
0x22: {  	p0 =	sne.s32 s16, $0x1;
	s16 =	sadd.s32 $0xFFFFFFFF, s16;
	[sflag:s14] =	ssyncadd.s32 $0xFFFFFFB0  }
.Ltmp1:
0x23: {  	(pc) =	sbr.rel @p0 .LBB2_4-.Ltmp1, $3  }
0x24: {  	_ =	sdelay $0x1  }
0x25: {  	_ =	swait.ge [sflag:s14], $0x50  }
0x26: {  	[sflag:s14] =	ssyncset.done $0x0  }
0x27: {  	s15 =	sadd.s32 $0x1, s15  }
0x28: {  	[sflag:s14] =	ssyncadd.s32 $0xFFFFFFB0;
	p0 =	sne.s32 s15, s9  }
.Ltmp2:
0x29: {  	[bflag:$0x0] =	sbarrier.arrive $0xFFFF;
	(pc) =	sbr.rel @p0 .LBB2_1-.Ltmp2, $4  }
0x2a: {  	[hbm:s8], [sflag:s6] =	dma.local [spmem:s10], $0x50  }
0x2b: {  	_ =	swait.ge [sflag:s11], $0x50  }
0x2c: {  	[sflag:s11] =	ssyncset.done $0x0  }
0x2d: {  	[sflag:s11] =	ssyncadd.s32 $0xFFFFFFB0  }
0x2e: {  	_ =	sfence.sel $0x180000  }
0x2f: {  	[bflag:$0x0] =	sbarrier.arrive $0xFFFF  }
0x30: {  	p0 =	sne.s32 s0, $0x0;
	_ =	strace $0x90000047  }
0x31: {  	s0 =	sadd.s32 @!p0 $0x100000, s1;
	[bflag:$0x2] =	sbarrier.arrive $0xFFFF  }
0x32: {  	[sflag:s0] =	ssyncadd.tile.s32 @!p0 $0x1;
	_ =	shalt  }
.Lfunc_end2:
_tile_overlayer_lowered:
.L_overlay_start_2:
0x33: {  	(tag) =	ssettag $0x2  }
0x34: {  	s0 =	rddreg [dreg:$0x0];
	s2 =	stileid.u32  }
0x35: {  	s1 =	rddreg [dreg:$0x1];
	p0 =	sne.s32 s2, $0x0  }
0x36: {  	s3 =	rddreg [dreg:$0x2];
	[bflag:$0x3] =	sbarrier.arrive $0xFFFF;
	s2 =	simm.s32 @!p0 $0x1C02  }
0x37: {  	[timem:s3], [sflag:s2] =	dma.local @!p0 [hbm:s0], s1  }
0x38: {  	s0 =	simm.s32 @!p0 $0x2  }
0x39: {  	_ =	swait.ge @!p0 [sflag:s0], s1  }
0x3a: {  	s1 =	ssub.s32 @!p0 $0x0, s1;
	[sflag:s0] =	ssyncset.done @!p0 $0x0  }
0x3b: {  	[sflag:s0] =	ssyncadd.s32 @!p0 s1  }
0x3c: {  	[bflag:$0x3] =	sbarrier.arrive $0xFFFF  }
0x3d: {  	_ =	shalt  }

</sc_bundles>
